<compile_context>
chip_gen: v7x
topology: tpu7x:2x2x1
jax: 0.10.2.dev20260603
libtpu: 0.0.44.dev20260713+nightly
codegen_flags: <defaults>
</compile_context>

<pallas_src>
import functools

import jax
import jax.numpy as jnp
from jax import lax
from jax.experimental import pallas as pl
from jax.experimental.pallas import tpu as pltpu
from jax.experimental.pallas import tpu_sc as plsc

CE_W = 1.0
MSE_W = 200.0
L1_W = 0.01
B, C, H, W = 8, 21, 512, 512
NPIX = B * H * W
K = int(0.2 * NPIX)

RH = 128
GB, GH = B, H // RH

NB = 512
HIST_LO, HIST_HI = 0.0, 16.0
INV_WIDTH = NB / (HIST_HI - HIST_LO)
NW = 32
CHUNK = NPIX // NW
SUB = 8192
NLANE = 16



def _dense_body(ctr_o_ref, ctr_t_ref, sem_ref, off_o_ref, off_t_ref, lbl_ref,
                loss_ref, part_ref, acc_ref):
    b = pl.program_id(0)
    h = pl.program_id(1)

    @pl.when((b == 0) & (h == 0))
    def _():
        acc_ref[...] = jnp.zeros_like(acc_ref)

    xb = sem_ref[0].astype(jnp.bfloat16)
    m = xb[0]
    for c in range(1, C):
        m = jnp.maximum(m, xb[c])
    lbl = lbl_ref[0]
    lbl16 = lbl.astype(jnp.int16)
    t0 = xb[0] - m
    s = jnp.exp(t0.astype(jnp.float32))
    tl = t0
    for c in range(1, C):
        t = xb[c] - m
        s = s + jnp.exp(t.astype(jnp.float32))
        tl = jnp.where(lbl16 == c, t, tl)
    loss_ref[0] = jnp.log(s) - tl.astype(jnp.float32)

    d = ctr_o_ref[0, 0] - ctr_t_ref[0, 0]
    w = (lbl > 0).astype(jnp.float32)
    l1m = (jnp.abs(off_o_ref[0, 0] - off_t_ref[0, 0])
           + jnp.abs(off_o_ref[0, 1] - off_t_ref[0, 1])) * w
    acc_ref[0] += d * d
    acc_ref[1] += l1m
    acc_ref[2] += w

    @pl.when((b == GB - 1) & (h == GH - 1))
    def _():
        part_ref[...] = acc_ref[...]


def _dense_call(ctr_o, ctr_t, sem, off_o, off_t, lbl):
    return pl.pallas_call(
        _dense_body,
        grid=(GB, GH),
        in_specs=[
            pl.BlockSpec((1, 1, RH, W), lambda b, h: (b, 0, h, 0)),
            pl.BlockSpec((1, 1, RH, W), lambda b, h: (b, 0, h, 0)),
            pl.BlockSpec((1, C, RH, W), lambda b, h: (b, 0, h, 0)),
            pl.BlockSpec((1, 2, RH, W), lambda b, h: (b, 0, h, 0)),
            pl.BlockSpec((1, 2, RH, W), lambda b, h: (b, 0, h, 0)),
            pl.BlockSpec((1, RH, W), lambda b, h: (b, h, 0)),
        ],
        out_specs=[
            pl.BlockSpec((1, RH, W), lambda b, h: (b, h, 0)),
            pl.BlockSpec((3, RH, W), lambda b, h: (0, 0, 0)),
        ],
        out_shape=[
            jax.ShapeDtypeStruct((B, H, W), jnp.float32),
            jax.ShapeDtypeStruct((3, RH, W), jnp.float32),
        ],
        scratch_shapes=[pltpu.VMEM((3, RH, W), jnp.float32)],
    )(ctr_o, ctr_t, sem, off_o, off_t, lbl)



def _hist_body(loss_hbm, cnt_out, sum_out, chunk,
               cnt_0, sum_0, cnt_1, sum_1, cnt_2, sum_2, cnt_3, sum_3):
    wid = lax.axis_index("s") * 2 + lax.axis_index("c")
    base = wid * CHUNK

    zeros = jnp.zeros((NLANE,), jnp.float32)
    ZU = 8

    def zinit(i, _):
        for u in range(ZU):
            o = (i * ZU + u) * NLANE
            for cb, sb in ((cnt_0, sum_0), (cnt_1, sum_1),
                           (cnt_2, sum_2), (cnt_3, sum_3)):
                cb[pl.ds(o, NLANE)] = zeros
                sb[pl.ds(o, NLANE)] = zeros
        return 0

    lax.fori_loop(0, (NLANE * NB) // (NLANE * ZU), zinit, 0)

    ones = jnp.ones((NLANE,), jnp.float32)
    lane_off = lax.iota(jnp.int32, NLANE) * NB

    def sub_loop(ci, _):
        pltpu.sync_copy(loss_hbm.at[pl.ds(base + ci * SUB, SUB)], chunk)

        def body(i, _):
            vs = [chunk[pl.ds((4 * i + u) * NLANE, NLANE)] for u in range(4)]
            bufs = ((cnt_0, sum_0), (cnt_1, sum_1), (cnt_2, sum_2),
                    (cnt_3, sum_3))
            for v, (cb, sb) in zip(vs, bufs):
                bi = jnp.clip(v * INV_WIDTH, 0.0,
                              float(NB - 1)).astype(jnp.int32)
                idx = bi + lane_off
                plsc.addupdate_scatter(cb, [idx], ones)
                plsc.addupdate_scatter(sb, [idx], v)
            return 0

        lax.fori_loop(0, SUB // (4 * NLANE), body, 0)
        return 0

    lax.fori_loop(0, CHUNK // SUB, sub_loop, 0)

    def merge(i, _):
        o = i * NLANE
        ca = cnt_0[pl.ds(o, NLANE)]
        sa = sum_0[pl.ds(o, NLANE)]
        for cb, sb in ((cnt_1, sum_1), (cnt_2, sum_2), (cnt_3, sum_3)):
            ca = ca + cb[pl.ds(o, NLANE)]
            sa = sa + sb[pl.ds(o, NLANE)]
        for r in range(1, NLANE):
            for cb, sb in ((cnt_0, sum_0), (cnt_1, sum_1), (cnt_2, sum_2),
                           (cnt_3, sum_3)):
                ca = ca + cb[pl.ds(r * NB + o, NLANE)]
                sa = sa + sb[pl.ds(r * NB + o, NLANE)]
        cnt_0[pl.ds(o, NLANE)] = ca
        sum_0[pl.ds(o, NLANE)] = sa
        return 0

    lax.fori_loop(0, NB // NLANE, merge, 0)

    pltpu.sync_copy(cnt_0.at[pl.ds(0, NB)], cnt_out.at[wid])
    pltpu.sync_copy(sum_0.at[pl.ds(0, NB)], sum_out.at[wid])


@functools.cache
def _get_hist_call():
    return pl.kernel(
        _hist_body,
        out_type=(jax.ShapeDtypeStruct((NW, NB), jnp.float32),
                  jax.ShapeDtypeStruct((NW, NB), jnp.float32)),
        mesh=plsc.VectorSubcoreMesh(core_axis_name="c", subcore_axis_name="s"),
        scratch_types=(pltpu.VMEM((SUB,), jnp.float32),)
                      + tuple(pltpu.VMEM((NLANE * NB,), jnp.float32)
                              for _ in range(8)),
        compiler_params=pltpu.CompilerParams(needs_layout_passes=False),
    )



def _combine_body(cnt_ref, sum_ref, part_ref, out_ref):
    cnt_tot = jnp.sum(cnt_ref[...], axis=0, keepdims=True)
    sum_tot = jnp.sum(sum_ref[...], axis=0, keepdims=True)
    stacked = jnp.concatenate([cnt_tot, sum_tot], axis=0)

    ji = lax.broadcasted_iota(jnp.int32, (NB, NB), 0)
    bi = lax.broadcasted_iota(jnp.int32, (NB, NB), 1)
    tri = (ji >= bi).astype(jnp.float32)
    sfx = jnp.dot(stacked, tri, preferred_element_type=jnp.float32)

    kf = float(K)
    sfx_c = sfx[0]
    sfx_s = sfx[1]
    cnt1 = cnt_tot[0]
    sum1 = sum_tot[0]
    abv_c = sfx_c - cnt1
    abv_s = sfx_s - sum1
    star = (sfx_c >= kf) & (abv_c < kf)

    def pick(a):
        return jnp.sum(jnp.where(star, a, 0.0))

    n_in = pick(cnt1)
    s_in = pick(sum1)
    mtop = kf - pick(abv_c)
    s_above = pick(abv_s)
    bstar = pick(lax.broadcasted_iota(jnp.int32, (NB,), 0).astype(jnp.float32))

    width = 1.0 / INV_WIDTH
    nsafe = jnp.maximum(n_in, 1.0)
    mu = s_in / nsafe
    t_est = mu + width * (n_in - mtop) / (2.0 * nsafe)
    lo = HIST_LO + bstar * width
    t_est = jnp.clip(t_est, lo, lo + width)
    ce = (s_above + mtop * t_est) / kf

    mse = jnp.sum(part_ref[0]) / float(NPIX)
    l1s = jnp.sum(part_ref[1])
    ws = jnp.sum(part_ref[2])
    l1 = jnp.where(ws == 0.0, 0.0, l1s / jnp.maximum(ws, 1.0))
    total = CE_W * ce + MSE_W * mse + L1_W * l1

    si = lax.broadcasted_iota(jnp.int32, (8, 128), 0)
    res = jnp.where(si == 0, total,
                    jnp.where(si == 1, ce,
                              jnp.where(si == 2, mse, l1)))
    out_ref[...] = res


def _combine_call(cnt, sm, part):
    return pl.pallas_call(
        _combine_body,
        out_shape=jax.ShapeDtypeStruct((8, 128), jnp.float32),
    )(cnt, sm, part)



def kernel(ctr_hmp_out, ctr_hmp_tgt, sem_logits, offsets_out, offsets_tgt,
           sem_labels):
    losses, part = _dense_call(ctr_hmp_out, ctr_hmp_tgt, sem_logits,
                               offsets_out, offsets_tgt, sem_labels)
    cnt, sm = _get_hist_call()(losses.reshape(-1))
    res = _combine_call(cnt, sm, part)
    return (res[0, 0], res[1, 0], res[2, 0], res[3, 0])

# --- scband reference (transcript-rebuilt; emitter-appended) ---
"""Pipeline reference for scband-panoptic-loss-28784870818118 (READ-ONLY COPY).

The authoritative reference and input builder live on the scoring server;
editing this copy changes nothing except your own understanding.
"""

import jax, jax.numpy as jnp
import numpy as np

CE_W = 1.0
MSE_W = 200.0
L1_W = 0.01
TOP_K_PERCENT = 0.2
B, C, H, W = 8, 21, 512, 512


def setup_inputs(seed: int = 0) -> dict:
    key = jax.random.key(seed)
    ks = jax.random.split(key, 6)
    return {
        "ctr_hmp_out": jax.random.normal(ks[0], (B, 1, H, W), dtype=jnp.float32),
        "ctr_hmp_tgt": jax.random.uniform(ks[1], (B, 1, H, W), dtype=jnp.float32),
        "sem_logits": jax.random.normal(ks[2], (B, C, H, W), dtype=jnp.float32),
        "offsets_out": jax.random.normal(ks[3], (B, 2, H, W), dtype=jnp.float32),
        "offsets_tgt": jax.random.normal(ks[4], (B, 2, H, W), dtype=jnp.float32),
        "sem_labels": jax.random.randint(ks[5], (B, H, W), 0, C, dtype=jnp.int32),
    }


def reference(ctr_hmp_out, ctr_hmp_tgt, sem_logits, offsets_out, offsets_tgt, sem_labels):
    # HeatmapMSE
    mse = jnp.mean((ctr_hmp_out - ctr_hmp_tgt) ** 2)
    # BootstrapCE: per-pixel cross-entropy, then average top-k fraction
    logp = jax.nn.log_softmax(sem_logits, axis=1)
    pixel_losses = -jnp.take_along_axis(logp, sem_labels[:, None, :, :], axis=1)[:, 0]
    pixel_losses = pixel_losses.reshape(-1)
    k = int(TOP_K_PERCENT * pixel_losses.size)
    top_vals, _ = jax.lax.top_k(pixel_losses, k)
    ce = jnp.mean(top_vals)
    # OffsetL1 masked by semantic foreground
    w = (sem_labels > 0).astype(jnp.float32)[:, None, :, :]
    l1_map = jnp.abs(offsets_out - offsets_tgt) * w
    weight_sum = jnp.sum(w) * 2.0  # broadcast over the 2 offset channels
    l1 = jnp.where(weight_sum == 0, 0.0, jnp.sum(l1_map) / jnp.maximum(weight_sum, 1.0))
    # NOTE: torch broadcasts offset_weights [B,1,H,W] against [B,2,H,W] in the
    # numerator but sums the un-broadcast weights in the denominator; replicate
    # torch exactly: weight_sum = w.sum() without channel broadcast.
    weight_sum_t = jnp.sum(w)
    l1 = jnp.where(weight_sum_t == 0, 0.0, jnp.sum(l1_map) / jnp.maximum(weight_sum_t, 1.0))
    total_loss = CE_W * ce + MSE_W * mse + L1_W * l1
    return (total_loss, ce, mse, l1)

if __name__ == "__main__":
    import jax
    _d = setup_inputs()
    print(jax.jit(kernel)(*tuple(_d.values())))

</pallas_src>

<mosaic_0001>
#map = affine_map<(d0, d1) -> (0)>
#map1 = affine_map<(d0, d1) -> (0, 0)>
module attributes {stable_mosaic.version = 14 : i64} {
  func.func @_hist_body(%arg0: i32, %arg1: i32, %arg2: memref<2097152xf32, #tpu.memory_space<hbm>>, %arg3: memref<32x512xf32, #tpu.memory_space<hbm>>, %arg4: memref<32x512xf32, #tpu.memory_space<hbm>>, %arg5: memref<8192xf32, #tpu.memory_space<vmem>>, %arg6: memref<8192xf32, #tpu.memory_space<vmem>>, %arg7: memref<8192xf32, #tpu.memory_space<vmem>>, %arg8: memref<8192xf32, #tpu.memory_space<vmem>>, %arg9: memref<8192xf32, #tpu.memory_space<vmem>>, %arg10: memref<8192xf32, #tpu.memory_space<vmem>>, %arg11: memref<8192xf32, #tpu.memory_space<vmem>>, %arg12: memref<8192xf32, #tpu.memory_space<vmem>>, %arg13: memref<8192xf32, #tpu.memory_space<vmem>>) attributes {dimension_semantics = [#tpu.dimension_semantics<core_parallel>, #tpu.dimension_semantics<subcore_parallel>], iteration_bounds = array<i64: 2, 16>, scalar_prefetch = 0 : i64, scratch_operands = 9 : i64, tpu.core_type = #tpu.core_type<sc_vector_subcore>, window_params = [{transform_indices = #map}, {transform_indices = #map1}, {transform_indices = #map1}]} {
    %mul3A = arith.constant 2 : i32
    %mul3A_0 = arith.muli %arg1, %mul3A : i32
    %add3A = arith.addi %mul3A_0, %arg0 : i32
    %mul3A_1 = arith.constant 65536 : i32
    %mul3A_2 = arith.muli %add3A, %mul3A_1 : i32
    %broadcast_in_dim3A = arith.constant 0.000000e+00 : f32
    %broadcast_in_dim3A_3 = vector.broadcast %broadcast_in_dim3A : f32 to vector<16xf32>
    %scan3A = arith.constant 0 : i32
    %scan3A_4 = arith.constant 0 : i32
    %scan3A_5 = arith.constant 64 : i32
    %scan3A_6 = arith.addi %scan3A_4, %scan3A_5 : i32
    %scan3A_7 = arith.constant 1 : i32
    %scan3A_8 = scf.for %scan3A_29 = %scan3A_4 to %scan3A_6 step %scan3A_7 iter_args(%scan3A_30 = %scan3A) -> (i32)  : i32 {
      %mul3A_31 = arith.constant 8 : i32
      %mul3A_32 = arith.muli %scan3A_29, %mul3A_31 : i32
      %add3A_33 = arith.constant 0 : i32
      %add3A_34 = arith.addi %mul3A_32, %add3A_33 : i32
      %mul3A_35 = arith.constant 16 : i32
      %mul3A_36 = arith.muli %add3A_34, %mul3A_35 : i32
      %swap3A = arith.index_cast %mul3A_36 : i32 to index
      %swap3A_37 = tpu.vector_load %arg6[%swap3A] {strides = array<i32>} : memref<8192xf32, #tpu.memory_space<vmem>>, vector<16xf32>,
      tpu.vector_store %arg6[%swap3A], %broadcast_in_dim3A_3 {strides = array<i32>} : memref<8192xf32, #tpu.memory_space<vmem>>, vector<16xf32>,
      %swap3A_38 = arith.index_cast %mul3A_36 : i32 to index
      %swap3A_39 = tpu.vector_load %arg7[%swap3A_38] {strides = array<i32>} : memref<8192xf32, #tpu.memory_space<vmem>>, vector<16xf32>,
      tpu.vector_store %arg7[%swap3A_38], %broadcast_in_dim3A_3 {strides = array<i32>} : memref<8192xf32, #tpu.memory_space<vmem>>, vector<16xf32>,
      %swap3A_40 = arith.index_cast %mul3A_36 : i32 to index
      %swap3A_41 = tpu.vector_load %arg8[%swap3A_40] {strides = array<i32>} : memref<8192xf32, #tpu.memory_space<vmem>>, vector<16xf32>,
      tpu.vector_store %arg8[%swap3A_40], %broadcast_in_dim3A_3 {strides = array<i32>} : memref<8192xf32, #tpu.memory_space<vmem>>, vector<16xf32>,
      %swap3A_42 = arith.index_cast %mul3A_36 : i32 to index
      %swap3A_43 = tpu.vector_load %arg9[%swap3A_42] {strides = array<i32>} : memref<8192xf32, #tpu.memory_space<vmem>>, vector<16xf32>,
      tpu.vector_store %arg9[%swap3A_42], %broadcast_in_dim3A_3 {strides = array<i32>} : memref<8192xf32, #tpu.memory_space<vmem>>, vector<16xf32>,
      %swap3A_44 = arith.index_cast %mul3A_36 : i32 to index
      %swap3A_45 = tpu.vector_load %arg10[%swap3A_44] {strides = array<i32>} : memref<8192xf32, #tpu.memory_space<vmem>>, vector<16xf32>,
      tpu.vector_store %arg10[%swap3A_44], %broadcast_in_dim3A_3 {strides = array<i32>} : memref<8192xf32, #tpu.memory_space<vmem>>, vector<16xf32>,
      %swap3A_46 = arith.index_cast %mul3A_36 : i32 to index
      %swap3A_47 = tpu.vector_load %arg11[%swap3A_46] {strides = array<i32>} : memref<8192xf32, #tpu.memory_space<vmem>>, vector<16xf32>,
      tpu.vector_store %arg11[%swap3A_46], %broadcast_in_dim3A_3 {strides = array<i32>} : memref<8192xf32, #tpu.memory_space<vmem>>, vector<16xf32>,
      %swap3A_48 = arith.index_cast %mul3A_36 : i32 to index
      %swap3A_49 = tpu.vector_load %arg12[%swap3A_48] {strides = array<i32>} : memref<8192xf32, #tpu.memory_space<vmem>>, vector<16xf32>,
      tpu.vector_store %arg12[%swap3A_48], %broadcast_in_dim3A_3 {strides = array<i32>} : memref<8192xf32, #tpu.memory_space<vmem>>, vector<16xf32>,
      %swap3A_50 = arith.index_cast %mul3A_36 : i32 to index
      %swap3A_51 = tpu.vector_load %arg13[%swap3A_50] {strides = array<i32>} : memref<8192xf32, #tpu.memory_space<vmem>>, vector<16xf32>,
      tpu.vector_store %arg13[%swap3A_50], %broadcast_in_dim3A_3 {strides = array<i32>} : memref<8192xf32, #tpu.memory_space<vmem>>, vector<16xf32>,
      %mul3A_52 = arith.constant 8 : i32
      %mul3A_53 = arith.muli %scan3A_29, %mul3A_52 : i32
      %add3A_54 = arith.constant 1 : i32
      %add3A_55 = arith.addi %mul3A_53, %add3A_54 : i32
      %mul3A_56 = arith.constant 16 : i32
      %mul3A_57 = arith.muli %add3A_55, %mul3A_56 : i32
      %swap3A_58 = arith.index_cast %mul3A_57 : i32 to index
      %swap3A_59 = tpu.vector_load %arg6[%swap3A_58] {strides = array<i32>} : memref<8192xf32, #tpu.memory_space<vmem>>, vector<16xf32>,
      tpu.vector_store %arg6[%swap3A_58], %broadcast_in_dim3A_3 {strides = array<i32>} : memref<8192xf32, #tpu.memory_space<vmem>>, vector<16xf32>,
      %swap3A_60 = arith.index_cast %mul3A_57 : i32 to index
      %swap3A_61 = tpu.vector_load %arg7[%swap3A_60] {strides = array<i32>} : memref<8192xf32, #tpu.memory_space<vmem>>, vector<16xf32>,
      tpu.vector_store %arg7[%swap3A_60], %broadcast_in_dim3A_3 {strides = array<i32>} : memref<8192xf32, #tpu.memory_space<vmem>>, vector<16xf32>,
      %swap3A_62 = arith.index_cast %mul3A_57 : i32 to index
      %swap3A_63 = tpu.vector_load %arg8[%swap3A_62] {strides = array<i32>} : memref<8192xf32, #tpu.memory_space<vmem>>, vector<16xf32>,
      tpu.vector_store %arg8[%swap3A_62], %broadcast_in_dim3A_3 {strides = array<i32>} : memref<8192xf32, #tpu.memory_space<vmem>>, vector<16xf32>,
      %swap3A_64 = arith.index_cast %mul3A_57 : i32 to index
      %swap3A_65 = tpu.vector_load %arg9[%swap3A_64] {strides = array<i32>} : memref<8192xf32, #tpu.memory_space<vmem>>, vector<16xf32>,
      tpu.vector_store %arg9[%swap3A_64], %broadcast_in_dim3A_3 {strides = array<i32>} : memref<8192xf32, #tpu.memory_space<vmem>>, vector<16xf32>,
      %swap3A_66 = arith.index_cast %mul3A_57 : i32 to index
      %swap3A_67 = tpu.vector_load %arg10[%swap3A_66] {strides = array<i32>} : memref<8192xf32, #tpu.memory_space<vmem>>, vector<16xf32>,
      tpu.vector_store %arg10[%swap3A_66], %broadcast_in_dim3A_3 {strides = array<i32>} : memref<8192xf32, #tpu.memory_space<vmem>>, vector<16xf32>,
      %swap3A_68 = arith.index_cast %mul3A_57 : i32 to index
      %swap3A_69 = tpu.vector_load %arg11[%swap3A_68] {strides = array<i32>} : memref<8192xf32, #tpu.memory_space<vmem>>, vector<16xf32>,
      tpu.vector_store %arg11[%swap3A_68], %broadcast_in_dim3A_3 {strides = array<i32>} : memref<8192xf32, #tpu.memory_space<vmem>>, vector<16xf32>,
      %swap3A_70 = arith.index_cast %mul3A_57 : i32 to index
      %swap3A_71 = tpu.vector_load %arg12[%swap3A_70] {strides = array<i32>} : memref<8192xf32, #tpu.memory_space<vmem>>, vector<16xf32>,
      tpu.vector_store %arg12[%swap3A_70], %broadcast_in_dim3A_3 {strides = array<i32>} : memref<8192xf32, #tpu.memory_space<vmem>>, vector<16xf32>,
      %swap3A_72 = arith.index_cast %mul3A_57 : i32 to index
      %swap3A_73 = tpu.vector_load %arg13[%swap3A_72] {strides = array<i32>} : memref<8192xf32, #tpu.memory_space<vmem>>, vector<16xf32>,
      tpu.vector_store %arg13[%swap3A_72], %broadcast_in_dim3A_3 {strides = array<i32>} : memref<8192xf32, #tpu.memory_space<vmem>>, vector<16xf32>,
      %mul3A_74 = arith.constant 8 : i32
      %mul3A_75 = arith.muli %scan3A_29, %mul3A_74 : i32
      %add3A_76 = arith.constant 2 : i32
      %add3A_77 = arith.addi %mul3A_75, %add3A_76 : i32
      %mul3A_78 = arith.constant 16 : i32
      %mul3A_79 = arith.muli %add3A_77, %mul3A_78 : i32
      %swap3A_80 = arith.index_cast %mul3A_79 : i32 to index
      %swap3A_81 = tpu.vector_load %arg6[%swap3A_80] {strides = array<i32>} : memref<8192xf32, #tpu.memory_space<vmem>>, vector<16xf32>,
      tpu.vector_store %arg6[%swap3A_80], %broadcast_in_dim3A_3 {strides = array<i32>} : memref<8192xf32, #tpu.memory_space<vmem>>, vector<16xf32>,
      %swap3A_82 = arith.index_cast %mul3A_79 : i32 to index
      %swap3A_83 = tpu.vector_load %arg7[%swap3A_82] {strides = array<i32>} : memref<8192xf32, #tpu.memory_space<vmem>>, vector<16xf32>,
      tpu.vector_store %arg7[%swap3A_82], %broadcast_in_dim3A_3 {strides = array<i32>} : memref<8192xf32, #tpu.memory_space<vmem>>, vector<16xf32>,
      %swap3A_84 = arith.index_cast %mul3A_79 : i32 to index
      %swap3A_85 = tpu.vector_load %arg8[%swap3A_84] {strides = array<i32>} : memref<8192xf32, #tpu.memory_space<vmem>>, vector<16xf32>,
      tpu.vector_store %arg8[%swap3A_84], %broadcast_in_dim3A_3 {strides = array<i32>} : memref<8192xf32, #tpu.memory_space<vmem>>, vector<16xf32>,
      %swap3A_86 = arith.index_cast %mul3A_79 : i32 to index
      %swap3A_87 = tpu.vector_load %arg9[%swap3A_86] {strides = array<i32>} : memref<8192xf32, #tpu.memory_space<vmem>>, vector<16xf32>,
      tpu.vector_store %arg9[%swap3A_86], %broadcast_in_dim3A_3 {strides = array<i32>} : memref<8192xf32, #tpu.memory_space<vmem>>, vector<16xf32>,
      %swap3A_88 = arith.index_cast %mul3A_79 : i32 to index
      %swap3A_89 = tpu.vector_load %arg10[%swap3A_88] {strides = array<i32>} : memref<8192xf32, #tpu.memory_space<vmem>>, vector<16xf32>,
      tpu.vector_store %arg10[%swap3A_88], %broadcast_in_dim3A_3 {strides = array<i32>} : memref<8192xf32, #tpu.memory_space<vmem>>, vector<16xf32>,
      %swap3A_90 = arith.index_cast %mul3A_79 : i32 to index
      %swap3A_91 = tpu.vector_load %arg11[%swap3A_90] {strides = array<i32>} : memref<8192xf32, #tpu.memory_space<vmem>>, vector<16xf32>,
      tpu.vector_store %arg11[%swap3A_90], %broadcast_in_dim3A_3 {strides = array<i32>} : memref<8192xf32, #tpu.memory_space<vmem>>, vector<16xf32>,
      %swap3A_92 = arith.index_cast %mul3A_79 : i32 to index
      %swap3A_93 = tpu.vector_load %arg12[%swap3A_92] {strides = array<i32>} : memref<8192xf32, #tpu.memory_space<vmem>>, vector<16xf32>,
      tpu.vector_store %arg12[%swap3A_92], %broadcast_in_dim3A_3 {strides = array<i32>} : memref<8192xf32, #tpu.memory_space<vmem>>, vector<16xf32>,
      %swap3A_94 = arith.index_cast %mul3A_79 : i32 to index
      %swap3A_95 = tpu.vector_load %arg13[%swap3A_94] {strides = array<i32>} : memref<8192xf32, #tpu.memory_space<vmem>>, vector<16xf32>,
      tpu.vector_store %arg13[%swap3A_94], %broadcast_in_dim3A_3 {strides = array<i32>} : memref<8192xf32, #tpu.memory_space<vmem>>, vector<16xf32>,
      %mul3A_96 = arith.constant 8 : i32
      %mul3A_97 = arith.muli %scan3A_29, %mul3A_96 : i32
      %add3A_98 = arith.constant 3 : i32
      %add3A_99 = arith.addi %mul3A_97, %add3A_98 : i32
      %mul3A_100 = arith.constant 16 : i32
      %mul3A_101 = arith.muli %add3A_99, %mul3A_100 : i32
      %swap3A_102 = arith.index_cast %mul3A_101 : i32 to index
      %swap3A_103 = tpu.vector_load %arg6[%swap3A_102] {strides = array<i32>} : memref<8192xf32, #tpu.memory_space<vmem>>, vector<16xf32>,
      tpu.vector_store %arg6[%swap3A_102], %broadcast_in_dim3A_3 {strides = array<i32>} : memref<8192xf32, #tpu.memory_space<vmem>>, vector<16xf32>,
      %swap3A_104 = arith.index_cast %mul3A_101 : i32 to index
      %swap3A_105 = tpu.vector_load %arg7[%swap3A_104] {strides = array<i32>} : memref<8192xf32, #tpu.memory_space<vmem>>, vector<16xf32>,
      tpu.vector_store %arg7[%swap3A_104], %broadcast_in_dim3A_3 {strides = array<i32>} : memref<8192xf32, #tpu.memory_space<vmem>>, vector<16xf32>,
      %swap3A_106 = arith.index_cast %mul3A_101 : i32 to index
      %swap3A_107 = tpu.vector_load %arg8[%swap3A_106] {strides = array<i32>} : memref<8192xf32, #tpu.memory_space<vmem>>, vector<16xf32>,
      tpu.vector_store %arg8[%swap3A_106], %broadcast_in_dim3A_3 {strides = array<i32>} : memref<8192xf32, #tpu.memory_space<vmem>>, vector<16xf32>,
      %swap3A_108 = arith.index_cast %mul3A_101 : i32 to index
      %swap3A_109 = tpu.vector_load %arg9[%swap3A_108] {strides = array<i32>} : memref<8192xf32, #tpu.memory_space<vmem>>, vector<16xf32>,
      tpu.vector_store %arg9[%swap3A_108], %broadcast_in_dim3A_3 {strides = array<i32>} : memref<8192xf32, #tpu.memory_space<vmem>>, vector<16xf32>,
      %swap3A_110 = arith.index_cast %mul3A_101 : i32 to index
      %swap3A_111 = tpu.vector_load %arg10[%swap3A_110] {strides = array<i32>} : memref<8192xf32, #tpu.memory_space<vmem>>, vector<16xf32>,
      tpu.vector_store %arg10[%swap3A_110], %broadcast_in_dim3A_3 {strides = array<i32>} : memref<8192xf32, #tpu.memory_space<vmem>>, vector<16xf32>,
      %swap3A_112 = arith.index_cast %mul3A_101 : i32 to index
      %swap3A_113 = tpu.vector_load %arg11[%swap3A_112] {strides = array<i32>} : memref<8192xf32, #tpu.memory_space<vmem>>, vector<16xf32>,
      tpu.vector_store %arg11[%swap3A_112], %broadcast_in_dim3A_3 {strides = array<i32>} : memref<8192xf32, #tpu.memory_space<vmem>>, vector<16xf32>,
      %swap3A_114 = arith.index_cast %mul3A_101 : i32 to index
      %swap3A_115 = tpu.vector_load %arg12[%swap3A_114] {strides = array<i32>} : memref<8192xf32, #tpu.memory_space<vmem>>, vector<16xf32>,
      tpu.vector_store %arg12[%swap3A_114], %broadcast_in_dim3A_3 {strides = array<i32>} : memref<8192xf32, #tpu.memory_space<vmem>>, vector<16xf32>,
      %swap3A_116 = arith.index_cast %mul3A_101 : i32 to index
      %swap3A_117 = tpu.vector_load %arg13[%swap3A_116] {strides = array<i32>} : memref<8192xf32, #tpu.memory_space<vmem>>, vector<16xf32>,
      tpu.vector_store %arg13[%swap3A_116], %broadcast_in_dim3A_3 {strides = array<i32>} : memref<8192xf32, #tpu.memory_space<vmem>>, vector<16xf32>,
      %mul3A_118 = arith.constant 8 : i32
      %mul3A_119 = arith.muli %scan3A_29, %mul3A_118 : i32
      %add3A_120 = arith.constant 4 : i32
      %add3A_121 = arith.addi %mul3A_119, %add3A_120 : i32
      %mul3A_122 = arith.constant 16 : i32
      %mul3A_123 = arith.muli %add3A_121, %mul3A_122 : i32
      %swap3A_124 = arith.index_cast %mul3A_123 : i32 to index
      %swap3A_125 = tpu.vector_load %arg6[%swap3A_124] {strides = array<i32>} : memref<8192xf32, #tpu.memory_space<vmem>>, vector<16xf32>,
      tpu.vector_store %arg6[%swap3A_124], %broadcast_in_dim3A_3 {strides = array<i32>} : memref<8192xf32, #tpu.memory_space<vmem>>, vector<16xf32>,
      %swap3A_126 = arith.index_cast %mul3A_123 : i32 to index
      %swap3A_127 = tpu.vector_load %arg7[%swap3A_126] {strides = array<i32>} : memref<8192xf32, #tpu.memory_space<vmem>>, vector<16xf32>,
      tpu.vector_store %arg7[%swap3A_126], %broadcast_in_dim3A_3 {strides = array<i32>} : memref<8192xf32, #tpu.memory_space<vmem>>, vector<16xf32>,
      %swap3A_128 = arith.index_cast %mul3A_123 : i32 to index
      %swap3A_129 = tpu.vector_load %arg8[%swap3A_128] {strides = array<i32>} : memref<8192xf32, #tpu.memory_space<vmem>>, vector<16xf32>,
      tpu.vector_store %arg8[%swap3A_128], %broadcast_in_dim3A_3 {strides = array<i32>} : memref<8192xf32, #tpu.memory_space<vmem>>, vector<16xf32>,
      %swap3A_130 = arith.index_cast %mul3A_123 : i32 to index
      %swap3A_131 = tpu.vector_load %arg9[%swap3A_130] {strides = array<i32>} : memref<8192xf32, #tpu.memory_space<vmem>>, vector<16xf32>,
      tpu.vector_store %arg9[%swap3A_130], %broadcast_in_dim3A_3 {strides = array<i32>} : memref<8192xf32, #tpu.memory_space<vmem>>, vector<16xf32>,
      %swap3A_132 = arith.index_cast %mul3A_123 : i32 to index
      %swap3A_133 = tpu.vector_load %arg10[%swap3A_132] {strides = array<i32>} : memref<8192xf32, #tpu.memory_space<vmem>>, vector<16xf32>,
      tpu.vector_store %arg10[%swap3A_132], %broadcast_in_dim3A_3 {strides = array<i32>} : memref<8192xf32, #tpu.memory_space<vmem>>, vector<16xf32>,
      %swap3A_134 = arith.index_cast %mul3A_123 : i32 to index
      %swap3A_135 = tpu.vector_load %arg11[%swap3A_134] {strides = array<i32>} : memref<8192xf32, #tpu.memory_space<vmem>>, vector<16xf32>,
      tpu.vector_store %arg11[%swap3A_134], %broadcast_in_dim3A_3 {strides = array<i32>} : memref<8192xf32, #tpu.memory_space<vmem>>, vector<16xf32>,
      %swap3A_136 = arith.index_cast %mul3A_123 : i32 to index
      %swap3A_137 = tpu.vector_load %arg12[%swap3A_136] {strides = array<i32>} : memref<8192xf32, #tpu.memory_space<vmem>>, vector<16xf32>,
      tpu.vector_store %arg12[%swap3A_136], %broadcast_in_dim3A_3 {strides = array<i32>} : memref<8192xf32, #tpu.memory_space<vmem>>, vector<16xf32>,
      %swap3A_138 = arith.index_cast %mul3A_123 : i32 to index
      %swap3A_139 = tpu.vector_load %arg13[%swap3A_138] {strides = array<i32>} : memref<8192xf32, #tpu.memory_space<vmem>>, vector<16xf32>,
      tpu.vector_store %arg13[%swap3A_138], %broadcast_in_dim3A_3 {strides = array<i32>} : memref<8192xf32, #tpu.memory_space<vmem>>, vector<16xf32>,
      %mul3A_140 = arith.constant 8 : i32
      %mul3A_141 = arith.muli %scan3A_29, %mul3A_140 : i32
      %add3A_142 = arith.constant 5 : i32
      %add3A_143 = arith.addi %mul3A_141, %add3A_142 : i32
      %mul3A_144 = arith.constant 16 : i32
      %mul3A_145 = arith.muli %add3A_143, %mul3A_144 : i32
      %swap3A_146 = arith.index_cast %mul3A_145 : i32 to index
      %swap3A_147 = tpu.vector_load %arg6[%swap3A_146] {strides = array<i32>} : memref<8192xf32, #tpu.memory_space<vmem>>, vector<16xf32>,
      tpu.vector_store %arg6[%swap3A_146], %broadcast_in_dim3A_3 {strides = array<i32>} : memref<8192xf32, #tpu.memory_space<vmem>>, vector<16xf32>,
      %swap3A_148 = arith.index_cast %mul3A_145 : i32 to index
      %swap3A_149 = tpu.vector_load %arg7[%swap3A_148] {strides = array<i32>} : memref<8192xf32, #tpu.memory_space<vmem>>, vector<16xf32>,
      tpu.vector_store %arg7[%swap3A_148], %broadcast_in_dim3A_3 {strides = array<i32>} : memref<8192xf32, #tpu.memory_space<vmem>>, vector<16xf32>,
      %swap3A_150 = arith.index_cast %mul3A_145 : i32 to index
      %swap3A_151 = tpu.vector_load %arg8[%swap3A_150] {strides = array<i32>} : memref<8192xf32, #tpu.memory_space<vmem>>, vector<16xf32>,
      tpu.vector_store %arg8[%swap3A_150], %broadcast_in_dim3A_3 {strides = array<i32>} : memref<8192xf32, #tpu.memory_space<vmem>>, vector<16xf32>,
      %swap3A_152 = arith.index_cast %mul3A_145 : i32 to index
      %swap3A_153 = tpu.vector_load %arg9[%swap3A_152] {strides = array<i32>} : memref<8192xf32, #tpu.memory_space<vmem>>, vector<16xf32>,
      tpu.vector_store %arg9[%swap3A_152], %broadcast_in_dim3A_3 {strides = array<i32>} : memref<8192xf32, #tpu.memory_space<vmem>>, vector<16xf32>,
      %swap3A_154 = arith.index_cast %mul3A_145 : i32 to index
      %swap3A_155 = tpu.vector_load %arg10[%swap3A_154] {strides = array<i32>} : memref<8192xf32, #tpu.memory_space<vmem>>, vector<16xf32>,
      tpu.vector_store %arg10[%swap3A_154], %broadcast_in_dim3A_3 {strides = array<i32>} : memref<8192xf32, #tpu.memory_space<vmem>>, vector<16xf32>,
      %swap3A_156 = arith.index_cast %mul3A_145 : i32 to index
      %swap3A_157 = tpu.vector_load %arg11[%swap3A_156] {strides = array<i32>} : memref<8192xf32, #tpu.memory_space<vmem>>, vector<16xf32>,
      tpu.vector_store %arg11[%swap3A_156], %broadcast_in_dim3A_3 {strides = array<i32>} : memref<8192xf32, #tpu.memory_space<vmem>>, vector<16xf32>,
      %swap3A_158 = arith.index_cast %mul3A_145 : i32 to index
      %swap3A_159 = tpu.vector_load %arg12[%swap3A_158] {strides = array<i32>} : memref<8192xf32, #tpu.memory_space<vmem>>, vector<16xf32>,
      tpu.vector_store %arg12[%swap3A_158], %broadcast_in_dim3A_3 {strides = array<i32>} : memref<8192xf32, #tpu.memory_space<vmem>>, vector<16xf32>,
      %swap3A_160 = arith.index_cast %mul3A_145 : i32 to index
      %swap3A_161 = tpu.vector_load %arg13[%swap3A_160] {strides = array<i32>} : memref<8192xf32, #tpu.memory_space<vmem>>, vector<16xf32>,
      tpu.vector_store %arg13[%swap3A_160], %broadcast_in_dim3A_3 {strides = array<i32>} : memref<8192xf32, #tpu.memory_space<vmem>>, vector<16xf32>,
      %mul3A_162 = arith.constant 8 : i32
      %mul3A_163 = arith.muli %scan3A_29, %mul3A_162 : i32
      %add3A_164 = arith.constant 6 : i32
      %add3A_165 = arith.addi %mul3A_163, %add3A_164 : i32
      %mul3A_166 = arith.constant 16 : i32
      %mul3A_167 = arith.muli %add3A_165, %mul3A_166 : i32
      %swap3A_168 = arith.index_cast %mul3A_167 : i32 to index
      %swap3A_169 = tpu.vector_load %arg6[%swap3A_168] {strides = array<i32>} : memref<8192xf32, #tpu.memory_space<vmem>>, vector<16xf32>,
      tpu.vector_store %arg6[%swap3A_168], %broadcast_in_dim3A_3 {strides = array<i32>} : memref<8192xf32, #tpu.memory_space<vmem>>, vector<16xf32>,
      %swap3A_170 = arith.index_cast %mul3A_167 : i32 to index
      %swap3A_171 = tpu.vector_load %arg7[%swap3A_170] {strides = array<i32>} : memref<8192xf32, #tpu.memory_space<vmem>>, vector<16xf32>,
      tpu.vector_store %arg7[%swap3A_170], %broadcast_in_dim3A_3 {strides = array<i32>} : memref<8192xf32, #tpu.memory_space<vmem>>, vector<16xf32>,
      %swap3A_172 = arith.index_cast %mul3A_167 : i32 to index
      %swap3A_173 = tpu.vector_load %arg8[%swap3A_172] {strides = array<i32>} : memref<8192xf32, #tpu.memory_space<vmem>>, vector<16xf32>,
      tpu.vector_store %arg8[%swap3A_172], %broadcast_in_dim3A_3 {strides = array<i32>} : memref<8192xf32, #tpu.memory_space<vmem>>, vector<16xf32>,
      %swap3A_174 = arith.index_cast %mul3A_167 : i32 to index
      %swap3A_175 = tpu.vector_load %arg9[%swap3A_174] {strides = array<i32>} : memref<8192xf32, #tpu.memory_space<vmem>>, vector<16xf32>,
      tpu.vector_store %arg9[%swap3A_174], %broadcast_in_dim3A_3 {strides = array<i32>} : memref<8192xf32, #tpu.memory_space<vmem>>, vector<16xf32>,
      %swap3A_176 = arith.index_cast %mul3A_167 : i32 to index
      %swap3A_177 = tpu.vector_load %arg10[%swap3A_176] {strides = array<i32>} : memref<8192xf32, #tpu.memory_space<vmem>>, vector<16xf32>,
      tpu.vector_store %arg10[%swap3A_176], %broadcast_in_dim3A_3 {strides = array<i32>} : memref<8192xf32, #tpu.memory_space<vmem>>, vector<16xf32>,
      %swap3A_178 = arith.index_cast %mul3A_167 : i32 to index
      %swap3A_179 = tpu.vector_load %arg11[%swap3A_178] {strides = array<i32>} : memref<8192xf32, #tpu.memory_space<vmem>>, vector<16xf32>,
      tpu.vector_store %arg11[%swap3A_178], %broadcast_in_dim3A_3 {strides = array<i32>} : memref<8192xf32, #tpu.memory_space<vmem>>, vector<16xf32>,
      %swap3A_180 = arith.index_cast %mul3A_167 : i32 to index
      %swap3A_181 = tpu.vector_load %arg12[%swap3A_180] {strides = array<i32>} : memref<8192xf32, #tpu.memory_space<vmem>>, vector<16xf32>,
      tpu.vector_store %arg12[%swap3A_180], %broadcast_in_dim3A_3 {strides = array<i32>} : memref<8192xf32, #tpu.memory_space<vmem>>, vector<16xf32>,
      %swap3A_182 = arith.index_cast %mul3A_167 : i32 to index
      %swap3A_183 = tpu.vector_load %arg13[%swap3A_182] {strides = array<i32>} : memref<8192xf32, #tpu.memory_space<vmem>>, vector<16xf32>,
      tpu.vector_store %arg13[%swap3A_182], %broadcast_in_dim3A_3 {strides = array<i32>} : memref<8192xf32, #tpu.memory_space<vmem>>, vector<16xf32>,
      %mul3A_184 = arith.constant 8 : i32
      %mul3A_185 = arith.muli %scan3A_29, %mul3A_184 : i32
      %add3A_186 = arith.constant 7 : i32
      %add3A_187 = arith.addi %mul3A_185, %add3A_186 : i32
      %mul3A_188 = arith.constant 16 : i32
      %mul3A_189 = arith.muli %add3A_187, %mul3A_188 : i32
      %swap3A_190 = arith.index_cast %mul3A_189 : i32 to index
      %swap3A_191 = tpu.vector_load %arg6[%swap3A_190] {strides = array<i32>} : memref<8192xf32, #tpu.memory_space<vmem>>, vector<16xf32>,
      tpu.vector_store %arg6[%swap3A_190], %broadcast_in_dim3A_3 {strides = array<i32>} : memref<8192xf32, #tpu.memory_space<vmem>>, vector<16xf32>,
      %swap3A_192 = arith.index_cast %mul3A_189 : i32 to index
      %swap3A_193 = tpu.vector_load %arg7[%swap3A_192] {strides = array<i32>} : memref<8192xf32, #tpu.memory_space<vmem>>, vector<16xf32>,
      tpu.vector_store %arg7[%swap3A_192], %broadcast_in_dim3A_3 {strides = array<i32>} : memref<8192xf32, #tpu.memory_space<vmem>>, vector<16xf32>,
      %swap3A_194 = arith.index_cast %mul3A_189 : i32 to index
      %swap3A_195 = tpu.vector_load %arg8[%swap3A_194] {strides = array<i32>} : memref<8192xf32, #tpu.memory_space<vmem>>, vector<16xf32>,
      tpu.vector_store %arg8[%swap3A_194], %broadcast_in_dim3A_3 {strides = array<i32>} : memref<8192xf32, #tpu.memory_space<vmem>>, vector<16xf32>,
      %swap3A_196 = arith.index_cast %mul3A_189 : i32 to index
      %swap3A_197 = tpu.vector_load %arg9[%swap3A_196] {strides = array<i32>} : memref<8192xf32, #tpu.memory_space<vmem>>, vector<16xf32>,
      tpu.vector_store %arg9[%swap3A_196], %broadcast_in_dim3A_3 {strides = array<i32>} : memref<8192xf32, #tpu.memory_space<vmem>>, vector<16xf32>,
      %swap3A_198 = arith.index_cast %mul3A_189 : i32 to index
      %swap3A_199 = tpu.vector_load %arg10[%swap3A_198] {strides = array<i32>} : memref<8192xf32, #tpu.memory_space<vmem>>, vector<16xf32>,
      tpu.vector_store %arg10[%swap3A_198], %broadcast_in_dim3A_3 {strides = array<i32>} : memref<8192xf32, #tpu.memory_space<vmem>>, vector<16xf32>,
      %swap3A_200 = arith.index_cast %mul3A_189 : i32 to index
      %swap3A_201 = tpu.vector_load %arg11[%swap3A_200] {strides = array<i32>} : memref<8192xf32, #tpu.memory_space<vmem>>, vector<16xf32>,
      tpu.vector_store %arg11[%swap3A_200], %broadcast_in_dim3A_3 {strides = array<i32>} : memref<8192xf32, #tpu.memory_space<vmem>>, vector<16xf32>,
      %swap3A_202 = arith.index_cast %mul3A_189 : i32 to index
      %swap3A_203 = tpu.vector_load %arg12[%swap3A_202] {strides = array<i32>} : memref<8192xf32, #tpu.memory_space<vmem>>, vector<16xf32>,
      tpu.vector_store %arg12[%swap3A_202], %broadcast_in_dim3A_3 {strides = array<i32>} : memref<8192xf32, #tpu.memory_space<vmem>>, vector<16xf32>,
      %swap3A_204 = arith.index_cast %mul3A_189 : i32 to index
      %swap3A_205 = tpu.vector_load %arg13[%swap3A_204] {strides = array<i32>} : memref<8192xf32, #tpu.memory_space<vmem>>, vector<16xf32>,
      tpu.vector_store %arg13[%swap3A_204], %broadcast_in_dim3A_3 {strides = array<i32>} : memref<8192xf32, #tpu.memory_space<vmem>>, vector<16xf32>,
      %scan3A_206 = arith.constant 0 : i32
      scf.yield %scan3A_206 : i32
    }
    %scan3A_9 = arith.constant 64 : i32
    %broadcast_in_dim3A_10 = arith.constant 1.000000e+00 : f32
    %broadcast_in_dim3A_11 = vector.broadcast %broadcast_in_dim3A_10 : f32 to vector<16xf32>
    %iota3A = tpu.iota {dimensions = array<i32: 0>} : vector<16xi32>
    %mul3A_12 = arith.constant 512 : i32
    %mul3A_13 = vector.broadcast %mul3A_12 : i32 to vector<16xi32>
    %mul3A_14 = arith.muli %iota3A, %mul3A_13 : vector<16xi32>
    %scan3A_15 = arith.constant 0 : i32
    %scan3A_16 = arith.constant 0 : i32
    %scan3A_17 = arith.constant 8 : i32
    %scan3A_18 = arith.addi %scan3A_16, %scan3A_17 : i32
    %scan3A_19 = arith.constant 1 : i32
    %scan3A_20 = scf.for %scan3A_29 = %scan3A_16 to %scan3A_18 step %scan3A_19 iter_args(%scan3A_30 = %scan3A_15) -> (i32)  : i32 {
      %mul3A_31 = arith.constant 8192 : i32
      %mul3A_32 = arith.muli %scan3A_29, %mul3A_31 : i32
      %add3A_33 = arith.addi %mul3A_2, %mul3A_32 : i32
      "tpu.region"() ({
        %run_scoped3A = tpu.sem_alloc : memref<!tpu.dma_semaphore, #tpu.memory_space<semaphore_mem>>
        %dma_start3A = tpu.memref_slice %arg2[%add3A_33] : memref<2097152xf32, #tpu.memory_space<hbm>> -> memref<8192xf32, #tpu.memory_space<hbm>>
        %dma_start3A_42 = tpu.memref_slice %arg2[%add3A_33] : memref<2097152xf32, #tpu.memory_space<hbm>> -> memref<8192xf32, #tpu.memory_space<hbm>>
        tpu.enqueue_dma source(%dma_start3A_42 : memref<8192xf32, #tpu.memory_space<hbm>>) target(%arg5 : memref<8192xf32, #tpu.memory_space<vmem>>) target_semaphore(%run_scoped3A : memref<!tpu.dma_semaphore, #tpu.memory_space<semaphore_mem>>)
        %dma_wait3A = tpu.memref_slice %arg2[%add3A_33] : memref<2097152xf32, #tpu.memory_space<hbm>> -> memref<8192xf32, #tpu.memory_space<hbm>>
        %dma_wait3A_43 = tpu.memref_slice %arg2[%add3A_33] : memref<2097152xf32, #tpu.memory_space<hbm>> -> memref<8192xf32, #tpu.memory_space<hbm>>
        tpu.wait_dma2 semaphore(%run_scoped3A : memref<!tpu.dma_semaphore, #tpu.memory_space<semaphore_mem>>) src(%dma_wait3A_43 : memref<8192xf32, #tpu.memory_space<hbm>>) dst(%arg5 : memref<8192xf32, #tpu.memory_space<vmem>>)
        tpu.yield
      }) : () -> ()
      %scan3A_34 = arith.constant 0 : i32
      %scan3A_35 = arith.constant 0 : i32
      %scan3A_36 = arith.constant 128 : i32
      %scan3A_37 = arith.addi %scan3A_35, %scan3A_36 : i32
      %scan3A_38 = arith.constant 1 : i32
      %scan3A_39 = scf.for %scan3A_42 = %scan3A_35 to %scan3A_37 step %scan3A_38 iter_args(%scan3A_43 = %scan3A_34) -> (i32)  : i32 {
        %mul3A_44 = arith.constant 4 : i32
        %mul3A_45 = arith.muli %mul3A_44, %scan3A_42 : i32
        %add3A_46 = arith.constant 0 : i32
        %add3A_47 = arith.addi %mul3A_45, %add3A_46 : i32
        %mul3A_48 = arith.constant 16 : i32
        %mul3A_49 = arith.muli %add3A_47, %mul3A_48 : i32
        %get3A = arith.index_cast %mul3A_49 : i32 to index
        %get3A_50 = tpu.vector_load %arg5[%get3A] {strides = array<i32>} : memref<8192xf32, #tpu.memory_space<vmem>>, vector<16xf32>,
        %mul3A_51 = arith.constant 4 : i32
        %mul3A_52 = arith.muli %mul3A_51, %scan3A_42 : i32
        %add3A_53 = arith.constant 1 : i32
        %add3A_54 = arith.addi %mul3A_52, %add3A_53 : i32
        %mul3A_55 = arith.constant 16 : i32
        %mul3A_56 = arith.muli %add3A_54, %mul3A_55 : i32
        %get3A_57 = arith.index_cast %mul3A_56 : i32 to index
        %get3A_58 = tpu.vector_load %arg5[%get3A_57] {strides = array<i32>} : memref<8192xf32, #tpu.memory_space<vmem>>, vector<16xf32>,
        %mul3A_59 = arith.constant 4 : i32
        %mul3A_60 = arith.muli %mul3A_59, %scan3A_42 : i32
        %add3A_61 = arith.constant 2 : i32
        %add3A_62 = arith.addi %mul3A_60, %add3A_61 : i32
        %mul3A_63 = arith.constant 16 : i32
        %mul3A_64 = arith.muli %add3A_62, %mul3A_63 : i32
        %get3A_65 = arith.index_cast %mul3A_64 : i32 to index
        %get3A_66 = tpu.vector_load %arg5[%get3A_65] {strides = array<i32>} : memref<8192xf32, #tpu.memory_space<vmem>>, vector<16xf32>,
        %mul3A_67 = arith.constant 4 : i32
        %mul3A_68 = arith.muli %mul3A_67, %scan3A_42 : i32
        %add3A_69 = arith.constant 3 : i32
        %add3A_70 = arith.addi %mul3A_68, %add3A_69 : i32
        %mul3A_71 = arith.constant 16 : i32
        %mul3A_72 = arith.muli %add3A_70, %mul3A_71 : i32
        %get3A_73 = arith.index_cast %mul3A_72 : i32 to index
        %get3A_74 = tpu.vector_load %arg5[%get3A_73] {strides = array<i32>} : memref<8192xf32, #tpu.memory_space<vmem>>, vector<16xf32>,
        %mul3A_75 = arith.constant 3.200000e+01 : f32
        %mul3A_76 = vector.broadcast %mul3A_75 : f32 to vector<16xf32>
        %mul3A_77 = arith.mulf %get3A_50, %mul3A_76 : vector<16xf32>
        %jit3A = arith.constant 0.000000e+00 : f32
        %jit3A_78 = arith.constant 5.110000e+02 : f32
        %max3A = vector.broadcast %jit3A : f32 to vector<16xf32>
        %max3A_79 = arith.maximumf %max3A, %mul3A_77 : vector<16xf32>
        %min3A = vector.broadcast %jit3A_78 : f32 to vector<16xf32>
        %min3A_80 = arith.minimumf %min3A, %max3A_79 : vector<16xf32>
        %convert_element_type3A = arith.fptosi %min3A_80 : vector<16xf32> to vector<16xi32>
        %add3A_81 = arith.addi %convert_element_type3A, %mul3A_14 : vector<16xi32>
        tpu.vector_store_idx %arg6[%add3A_81], %broadcast_in_dim3A_11 {add = true} : memref<8192xf32, #tpu.memory_space<vmem>>[vector<16xi32>], vector<16xf32>,
        tpu.vector_store_idx %arg7[%add3A_81], %get3A_50 {add = true} : memref<8192xf32, #tpu.memory_space<vmem>>[vector<16xi32>], vector<16xf32>,
        %mul3A_82 = arith.constant 3.200000e+01 : f32
        %mul3A_83 = vector.broadcast %mul3A_82 : f32 to vector<16xf32>
        %mul3A_84 = arith.mulf %get3A_58, %mul3A_83 : vector<16xf32>
        %jit3A_85 = arith.constant 0.000000e+00 : f32
        %jit3A_86 = arith.constant 5.110000e+02 : f32
        %max3A_87 = vector.broadcast %jit3A_85 : f32 to vector<16xf32>
        %max3A_88 = arith.maximumf %max3A_87, %mul3A_84 : vector<16xf32>
        %min3A_89 = vector.broadcast %jit3A_86 : f32 to vector<16xf32>
        %min3A_90 = arith.minimumf %min3A_89, %max3A_88 : vector<16xf32>
        %convert_element_type3A_91 = arith.fptosi %min3A_90 : vector<16xf32> to vector<16xi32>
        %add3A_92 = arith.addi %convert_element_type3A_91, %mul3A_14 : vector<16xi32>
        tpu.vector_store_idx %arg8[%add3A_92], %broadcast_in_dim3A_11 {add = true} : memref<8192xf32, #tpu.memory_space<vmem>>[vector<16xi32>], vector<16xf32>,
        tpu.vector_store_idx %arg9[%add3A_92], %get3A_58 {add = true} : memref<8192xf32, #tpu.memory_space<vmem>>[vector<16xi32>], vector<16xf32>,
        %mul3A_93 = arith.constant 3.200000e+01 : f32
        %mul3A_94 = vector.broadcast %mul3A_93 : f32 to vector<16xf32>
        %mul3A_95 = arith.mulf %get3A_66, %mul3A_94 : vector<16xf32>
        %jit3A_96 = arith.constant 0.000000e+00 : f32
        %jit3A_97 = arith.constant 5.110000e+02 : f32
        %max3A_98 = vector.broadcast %jit3A_96 : f32 to vector<16xf32>
        %max3A_99 = arith.maximumf %max3A_98, %mul3A_95 : vector<16xf32>
        %min3A_100 = vector.broadcast %jit3A_97 : f32 to vector<16xf32>
        %min3A_101 = arith.minimumf %min3A_100, %max3A_99 : vector<16xf32>
        %convert_element_type3A_102 = arith.fptosi %min3A_101 : vector<16xf32> to vector<16xi32>
        %add3A_103 = arith.addi %convert_element_type3A_102, %mul3A_14 : vector<16xi32>
        tpu.vector_store_idx %arg10[%add3A_103], %broadcast_in_dim3A_11 {add = true} : memref<8192xf32, #tpu.memory_space<vmem>>[vector<16xi32>], vector<16xf32>,
        tpu.vector_store_idx %arg11[%add3A_103], %get3A_66 {add = true} : memref<8192xf32, #tpu.memory_space<vmem>>[vector<16xi32>], vector<16xf32>,
        %mul3A_104 = arith.constant 3.200000e+01 : f32
        %mul3A_105 = vector.broadcast %mul3A_104 : f32 to vector<16xf32>
        %mul3A_106 = arith.mulf %get3A_74, %mul3A_105 : vector<16xf32>
        %jit3A_107 = arith.constant 0.000000e+00 : f32
        %jit3A_108 = arith.constant 5.110000e+02 : f32
        %max3A_109 = vector.broadcast %jit3A_107 : f32 to vector<16xf32>
        %max3A_110 = arith.maximumf %max3A_109, %mul3A_106 : vector<16xf32>
        %min3A_111 = vector.broadcast %jit3A_108 : f32 to vector<16xf32>
        %min3A_112 = arith.minimumf %min3A_111, %max3A_110 : vector<16xf32>
        %convert_element_type3A_113 = arith.fptosi %min3A_112 : vector<16xf32> to vector<16xi32>
        %add3A_114 = arith.addi %convert_element_type3A_113, %mul3A_14 : vector<16xi32>
        tpu.vector_store_idx %arg12[%add3A_114], %broadcast_in_dim3A_11 {add = true} : memref<8192xf32, #tpu.memory_space<vmem>>[vector<16xi32>], vector<16xf32>,
        tpu.vector_store_idx %arg13[%add3A_114], %get3A_74 {add = true} : memref<8192xf32, #tpu.memory_space<vmem>>[vector<16xi32>], vector<16xf32>,
        %scan3A_115 = arith.constant 0 : i32
        scf.yield %scan3A_115 : i32
      }
      %scan3A_40 = arith.constant 128 : i32
      %scan3A_41 = arith.constant 0 : i32
      scf.yield %scan3A_41 : i32
    }
    %scan3A_21 = arith.constant 8 : i32
    %scan3A_22 = arith.constant 0 : i32
    %scan3A_23 = arith.constant 0 : i32
    %scan3A_24 = arith.constant 32 : i32
    %scan3A_25 = arith.addi %scan3A_23, %scan3A_24 : i32
    %scan3A_26 = arith.constant 1 : i32
    %scan3A_27 = scf.for %scan3A_29 = %scan3A_23 to %scan3A_25 step %scan3A_26 iter_args(%scan3A_30 = %scan3A_22) -> (i32)  : i32 {
      %mul3A_31 = arith.constant 16 : i32
      %mul3A_32 = arith.muli %scan3A_29, %mul3A_31 : i32
      %get3A = arith.index_cast %mul3A_32 : i32 to index
      %get3A_33 = tpu.vector_load %arg6[%get3A] {strides = array<i32>} : memref<8192xf32, #tpu.memory_space<vmem>>, vector<16xf32>,
      %get3A_34 = arith.index_cast %mul3A_32 : i32 to index
      %get3A_35 = tpu.vector_load %arg7[%get3A_34] {strides = array<i32>} : memref<8192xf32, #tpu.memory_space<vmem>>, vector<16xf32>,
      %get3A_36 = arith.index_cast %mul3A_32 : i32 to index
      %get3A_37 = tpu.vector_load %arg8[%get3A_36] {strides = array<i32>} : memref<8192xf32, #tpu.memory_space<vmem>>, vector<16xf32>,
      %add3A_38 = arith.addf %get3A_33, %get3A_37 : vector<16xf32>
      %get3A_39 = arith.index_cast %mul3A_32 : i32 to index
      %get3A_40 = tpu.vector_load %arg9[%get3A_39] {strides = array<i32>} : memref<8192xf32, #tpu.memory_space<vmem>>, vector<16xf32>,
      %add3A_41 = arith.addf %get3A_35, %get3A_40 : vector<16xf32>
      %get3A_42 = arith.index_cast %mul3A_32 : i32 to index
      %get3A_43 = tpu.vector_load %arg10[%get3A_42] {strides = array<i32>} : memref<8192xf32, #tpu.memory_space<vmem>>, vector<16xf32>,
      %add3A_44 = arith.addf %add3A_38, %get3A_43 : vector<16xf32>
      %get3A_45 = arith.index_cast %mul3A_32 : i32 to index
      %get3A_46 = tpu.vector_load %arg11[%get3A_45] {strides = array<i32>} : memref<8192xf32, #tpu.memory_space<vmem>>, vector<16xf32>,
      %add3A_47 = arith.addf %add3A_41, %get3A_46 : vector<16xf32>
      %get3A_48 = arith.index_cast %mul3A_32 : i32 to index
      %get3A_49 = tpu.vector_load %arg12[%get3A_48] {strides = array<i32>} : memref<8192xf32, #tpu.memory_space<vmem>>, vector<16xf32>,
      %add3A_50 = arith.addf %add3A_44, %get3A_49 : vector<16xf32>
      %get3A_51 = arith.index_cast %mul3A_32 : i32 to index
      %get3A_52 = tpu.vector_load %arg13[%get3A_51] {strides = array<i32>} : memref<8192xf32, #tpu.memory_space<vmem>>, vector<16xf32>,
      %add3A_53 = arith.addf %add3A_47, %get3A_52 : vector<16xf32>
      %add3A_54 = arith.constant 512 : i32
      %add3A_55 = arith.addi %add3A_54, %mul3A_32 : i32
      %get3A_56 = arith.index_cast %add3A_55 : i32 to index
      %get3A_57 = tpu.vector_load %arg6[%get3A_56] {strides = array<i32>} : memref<8192xf32, #tpu.memory_space<vmem>>, vector<16xf32>,
      %add3A_58 = arith.addf %add3A_50, %get3A_57 : vector<16xf32>
      %add3A_59 = arith.constant 512 : i32
      %add3A_60 = arith.addi %add3A_59, %mul3A_32 : i32
      %get3A_61 = arith.index_cast %add3A_60 : i32 to index
      %get3A_62 = tpu.vector_load %arg7[%get3A_61] {strides = array<i32>} : memref<8192xf32, #tpu.memory_space<vmem>>, vector<16xf32>,
      %add3A_63 = arith.addf %add3A_53, %get3A_62 : vector<16xf32>
      %add3A_64 = arith.constant 512 : i32
      %add3A_65 = arith.addi %add3A_64, %mul3A_32 : i32
      %get3A_66 = arith.index_cast %add3A_65 : i32 to index
      %get3A_67 = tpu.vector_load %arg8[%get3A_66] {strides = array<i32>} : memref<8192xf32, #tpu.memory_space<vmem>>, vector<16xf32>,
      %add3A_68 = arith.addf %add3A_58, %get3A_67 : vector<16xf32>
      %add3A_69 = arith.constant 512 : i32
      %add3A_70 = arith.addi %add3A_69, %mul3A_32 : i32
      %get3A_71 = arith.index_cast %add3A_70 : i32 to index
      %get3A_72 = tpu.vector_load %arg9[%get3A_71] {strides = array<i32>} : memref<8192xf32, #tpu.memory_space<vmem>>, vector<16xf32>,
      %add3A_73 = arith.addf %add3A_63, %get3A_72 : vector<16xf32>
      %add3A_74 = arith.constant 512 : i32
      %add3A_75 = arith.addi %add3A_74, %mul3A_32 : i32
      %get3A_76 = arith.index_cast %add3A_75 : i32 to index
      %get3A_77 = tpu.vector_load %arg10[%get3A_76] {strides = array<i32>} : memref<8192xf32, #tpu.memory_space<vmem>>, vector<16xf32>,
      %add3A_78 = arith.addf %add3A_68, %get3A_77 : vector<16xf32>
      %add3A_79 = arith.constant 512 : i32
      %add3A_80 = arith.addi %add3A_79, %mul3A_32 : i32
      %get3A_81 = arith.index_cast %add3A_80 : i32 to index
      %get3A_82 = tpu.vector_load %arg11[%get3A_81] {strides = array<i32>} : memref<8192xf32, #tpu.memory_space<vmem>>, vector<16xf32>,
      %add3A_83 = arith.addf %add3A_73, %get3A_82 : vector<16xf32>
      %add3A_84 = arith.constant 512 : i32
      %add3A_85 = arith.addi %add3A_84, %mul3A_32 : i32
      %get3A_86 = arith.index_cast %add3A_85 : i32 to index
      %get3A_87 = tpu.vector_load %arg12[%get3A_86] {strides = array<i32>} : memref<8192xf32, #tpu.memory_space<vmem>>, vector<16xf32>,
      %add3A_88 = arith.addf %add3A_78, %get3A_87 : vector<16xf32>
      %add3A_89 = arith.constant 512 : i32
      %add3A_90 = arith.addi %add3A_89, %mul3A_32 : i32
      %get3A_91 = arith.index_cast %add3A_90 : i32 to index
      %get3A_92 = tpu.vector_load %arg13[%get3A_91] {strides = array<i32>} : memref<8192xf32, #tpu.memory_space<vmem>>, vector<16xf32>,
      %add3A_93 = arith.addf %add3A_83, %get3A_92 : vector<16xf32>
      %add3A_94 = arith.constant 1024 : i32
      %add3A_95 = arith.addi %add3A_94, %mul3A_32 : i32
      %get3A_96 = arith.index_cast %add3A_95 : i32 to index
      %get3A_97 = tpu.vector_load %arg6[%get3A_96] {strides = array<i32>} : memref<8192xf32, #tpu.memory_space<vmem>>, vector<16xf32>,
      %add3A_98 = arith.addf %add3A_88, %get3A_97 : vector<16xf32>
      %add3A_99 = arith.constant 1024 : i32
      %add3A_100 = arith.addi %add3A_99, %mul3A_32 : i32
      %get3A_101 = arith.index_cast %add3A_100 : i32 to index
      %get3A_102 = tpu.vector_load %arg7[%get3A_101] {strides = array<i32>} : memref<8192xf32, #tpu.memory_space<vmem>>, vector<16xf32>,
      %add3A_103 = arith.addf %add3A_93, %get3A_102 : vector<16xf32>
      %add3A_104 = arith.constant 1024 : i32
      %add3A_105 = arith.addi %add3A_104, %mul3A_32 : i32
      %get3A_106 = arith.index_cast %add3A_105 : i32 to index
      %get3A_107 = tpu.vector_load %arg8[%get3A_106] {strides = array<i32>} : memref<8192xf32, #tpu.memory_space<vmem>>, vector<16xf32>,
      %add3A_108 = arith.addf %add3A_98, %get3A_107 : vector<16xf32>
      %add3A_109 = arith.constant 1024 : i32
      %add3A_110 = arith.addi %add3A_109, %mul3A_32 : i32
      %get3A_111 = arith.index_cast %add3A_110 : i32 to index
      %get3A_112 = tpu.vector_load %arg9[%get3A_111] {strides = array<i32>} : memref<8192xf32, #tpu.memory_space<vmem>>, vector<16xf32>,
      %add3A_113 = arith.addf %add3A_103, %get3A_112 : vector<16xf32>
      %add3A_114 = arith.constant 1024 : i32
      %add3A_115 = arith.addi %add3A_114, %mul3A_32 : i32
      %get3A_116 = arith.index_cast %add3A_115 : i32 to index
      %get3A_117 = tpu.vector_load %arg10[%get3A_116] {strides = array<i32>} : memref<8192xf32, #tpu.memory_space<vmem>>, vector<16xf32>,
      %add3A_118 = arith.addf %add3A_108, %get3A_117 : vector<16xf32>
      %add3A_119 = arith.constant 1024 : i32
      %add3A_120 = arith.addi %add3A_119, %mul3A_32 : i32
      %get3A_121 = arith.index_cast %add3A_120 : i32 to index
      %get3A_122 = tpu.vector_load %arg11[%get3A_121] {strides = array<i32>} : memref<8192xf32, #tpu.memory_space<vmem>>, vector<16xf32>,
      %add3A_123 = arith.addf %add3A_113, %get3A_122 : vector<16xf32>
      %add3A_124 = arith.constant 1024 : i32
      %add3A_125 = arith.addi %add3A_124, %mul3A_32 : i32
      %get3A_126 = arith.index_cast %add3A_125 : i32 to index
      %get3A_127 = tpu.vector_load %arg12[%get3A_126] {strides = array<i32>} : memref<8192xf32, #tpu.memory_space<vmem>>, vector<16xf32>,
      %add3A_128 = arith.addf %add3A_118, %get3A_127 : vector<16xf32>
      %add3A_129 = arith.constant 1024 : i32
      %add3A_130 = arith.addi %add3A_129, %mul3A_32 : i32
      %get3A_131 = arith.index_cast %add3A_130 : i32 to index
      %get3A_132 = tpu.vector_load %arg13[%get3A_131] {strides = array<i32>} : memref<8192xf32, #tpu.memory_space<vmem>>, vector<16xf32>,
      %add3A_133 = arith.addf %add3A_123, %get3A_132 : vector<16xf32>
      %add3A_134 = arith.constant 1536 : i32
      %add3A_135 = arith.addi %add3A_134, %mul3A_32 : i32
      %get3A_136 = arith.index_cast %add3A_135 : i32 to index
      %get3A_137 = tpu.vector_load %arg6[%get3A_136] {strides = array<i32>} : memref<8192xf32, #tpu.memory_space<vmem>>, vector<16xf32>,
      %add3A_138 = arith.addf %add3A_128, %get3A_137 : vector<16xf32>
      %add3A_139 = arith.constant 1536 : i32
      %add3A_140 = arith.addi %add3A_139, %mul3A_32 : i32
      %get3A_141 = arith.index_cast %add3A_140 : i32 to index
      %get3A_142 = tpu.vector_load %arg7[%get3A_141] {strides = array<i32>} : memref<8192xf32, #tpu.memory_space<vmem>>, vector<16xf32>,
      %add3A_143 = arith.addf %add3A_133, %get3A_142 : vector<16xf32>
      %add3A_144 = arith.constant 1536 : i32
      %add3A_145 = arith.addi %add3A_144, %mul3A_32 : i32
      %get3A_146 = arith.index_cast %add3A_145 : i32 to index
      %get3A_147 = tpu.vector_load %arg8[%get3A_146] {strides = array<i32>} : memref<8192xf32, #tpu.memory_space<vmem>>, vector<16xf32>,
      %add3A_148 = arith.addf %add3A_138, %get3A_147 : vector<16xf32>
      %add3A_149 = arith.constant 1536 : i32
      %add3A_150 = arith.addi %add3A_149, %mul3A_32 : i32
      %get3A_151 = arith.index_cast %add3A_150 : i32 to index
      %get3A_152 = tpu.vector_load %arg9[%get3A_151] {strides = array<i32>} : memref<8192xf32, #tpu.memory_space<vmem>>, vector<16xf32>,
      %add3A_153 = arith.addf %add3A_143, %get3A_152 : vector<16xf32>
      %add3A_154 = arith.constant 1536 : i32
      %add3A_155 = arith.addi %add3A_154, %mul3A_32 : i32
      %get3A_156 = arith.index_cast %add3A_155 : i32 to index
      %get3A_157 = tpu.vector_load %arg10[%get3A_156] {strides = array<i32>} : memref<8192xf32, #tpu.memory_space<vmem>>, vector<16xf32>,
      %add3A_158 = arith.addf %add3A_148, %get3A_157 : vector<16xf32>
      %add3A_159 = arith.constant 1536 : i32
      %add3A_160 = arith.addi %add3A_159, %mul3A_32 : i32
      %get3A_161 = arith.index_cast %add3A_160 : i32 to index
      %get3A_162 = tpu.vector_load %arg11[%get3A_161] {strides = array<i32>} : memref<8192xf32, #tpu.memory_space<vmem>>, vector<16xf32>,
      %add3A_163 = arith.addf %add3A_153, %get3A_162 : vector<16xf32>
      %add3A_164 = arith.constant 1536 : i32
      %add3A_165 = arith.addi %add3A_164, %mul3A_32 : i32
      %get3A_166 = arith.index_cast %add3A_165 : i32 to index
      %get3A_167 = tpu.vector_load %arg12[%get3A_166] {strides = array<i32>} : memref<8192xf32, #tpu.memory_space<vmem>>, vector<16xf32>,
      %add3A_168 = arith.addf %add3A_158, %get3A_167 : vector<16xf32>
      %add3A_169 = arith.constant 1536 : i32
      %add3A_170 = arith.addi %add3A_169, %mul3A_32 : i32
      %get3A_171 = arith.index_cast %add3A_170 : i32 to index
      %get3A_172 = tpu.vector_load %arg13[%get3A_171] {strides = array<i32>} : memref<8192xf32, #tpu.memory_space<vmem>>, vector<16xf32>,
      %add3A_173 = arith.addf %add3A_163, %get3A_172 : vector<16xf32>
      %add3A_174 = arith.constant 2048 : i32
      %add3A_175 = arith.addi %add3A_174, %mul3A_32 : i32
      %get3A_176 = arith.index_cast %add3A_175 : i32 to index
      %get3A_177 = tpu.vector_load %arg6[%get3A_176] {strides = array<i32>} : memref<8192xf32, #tpu.memory_space<vmem>>, vector<16xf32>,
      %add3A_178 = arith.addf %add3A_168, %get3A_177 : vector<16xf32>
      %add3A_179 = arith.constant 2048 : i32
      %add3A_180 = arith.addi %add3A_179, %mul3A_32 : i32
      %get3A_181 = arith.index_cast %add3A_180 : i32 to index
      %get3A_182 = tpu.vector_load %arg7[%get3A_181] {strides = array<i32>} : memref<8192xf32, #tpu.memory_space<vmem>>, vector<16xf32>,
      %add3A_183 = arith.addf %add3A_173, %get3A_182 : vector<16xf32>
      %add3A_184 = arith.constant 2048 : i32
      %add3A_185 = arith.addi %add3A_184, %mul3A_32 : i32
      %get3A_186 = arith.index_cast %add3A_185 : i32 to index
      %get3A_187 = tpu.vector_load %arg8[%get3A_186] {strides = array<i32>} : memref<8192xf32, #tpu.memory_space<vmem>>, vector<16xf32>,
      %add3A_188 = arith.addf %add3A_178, %get3A_187 : vector<16xf32>
      %add3A_189 = arith.constant 2048 : i32
      %add3A_190 = arith.addi %add3A_189, %mul3A_32 : i32
      %get3A_191 = arith.index_cast %add3A_190 : i32 to index
      %get3A_192 = tpu.vector_load %arg9[%get3A_191] {strides = array<i32>} : memref<8192xf32, #tpu.memory_space<vmem>>, vector<16xf32>,
      %add3A_193 = arith.addf %add3A_183, %get3A_192 : vector<16xf32>
      %add3A_194 = arith.constant 2048 : i32
      %add3A_195 = arith.addi %add3A_194, %mul3A_32 : i32
      %get3A_196 = arith.index_cast %add3A_195 : i32 to index
      %get3A_197 = tpu.vector_load %arg10[%get3A_196] {strides = array<i32>} : memref<8192xf32, #tpu.memory_space<vmem>>, vector<16xf32>,
      %add3A_198 = arith.addf %add3A_188, %get3A_197 : vector<16xf32>
      %add3A_199 = arith.constant 2048 : i32
      %add3A_200 = arith.addi %add3A_199, %mul3A_32 : i32
      %get3A_201 = arith.index_cast %add3A_200 : i32 to index
      %get3A_202 = tpu.vector_load %arg11[%get3A_201] {strides = array<i32>} : memref<8192xf32, #tpu.memory_space<vmem>>, vector<16xf32>,
      %add3A_203 = arith.addf %add3A_193, %get3A_202 : vector<16xf32>
      %add3A_204 = arith.constant 2048 : i32
      %add3A_205 = arith.addi %add3A_204, %mul3A_32 : i32
      %get3A_206 = arith.index_cast %add3A_205 : i32 to index
      %get3A_207 = tpu.vector_load %arg12[%get3A_206] {strides = array<i32>} : memref<8192xf32, #tpu.memory_space<vmem>>, vector<16xf32>,
      %add3A_208 = arith.addf %add3A_198, %get3A_207 : vector<16xf32>
      %add3A_209 = arith.constant 2048 : i32
      %add3A_210 = arith.addi %add3A_209, %mul3A_32 : i32
      %get3A_211 = arith.index_cast %add3A_210 : i32 to index
      %get3A_212 = tpu.vector_load %arg13[%get3A_211] {strides = array<i32>} : memref<8192xf32, #tpu.memory_space<vmem>>, vector<16xf32>,
      %add3A_213 = arith.addf %add3A_203, %get3A_212 : vector<16xf32>
      %add3A_214 = arith.constant 2560 : i32
      %add3A_215 = arith.addi %add3A_214, %mul3A_32 : i32
      %get3A_216 = arith.index_cast %add3A_215 : i32 to index
      %get3A_217 = tpu.vector_load %arg6[%get3A_216] {strides = array<i32>} : memref<8192xf32, #tpu.memory_space<vmem>>, vector<16xf32>,
      %add3A_218 = arith.addf %add3A_208, %get3A_217 : vector<16xf32>
      %add3A_219 = arith.constant 2560 : i32
      %add3A_220 = arith.addi %add3A_219, %mul3A_32 : i32
      %get3A_221 = arith.index_cast %add3A_220 : i32 to index
      %get3A_222 = tpu.vector_load %arg7[%get3A_221] {strides = array<i32>} : memref<8192xf32, #tpu.memory_space<vmem>>, vector<16xf32>,
      %add3A_223 = arith.addf %add3A_213, %get3A_222 : vector<16xf32>
      %add3A_224 = arith.constant 2560 : i32
      %add3A_225 = arith.addi %add3A_224, %mul3A_32 : i32
      %get3A_226 = arith.index_cast %add3A_225 : i32 to index
      %get3A_227 = tpu.vector_load %arg8[%get3A_226] {strides = array<i32>} : memref<8192xf32, #tpu.memory_space<vmem>>, vector<16xf32>,
      %add3A_228 = arith.addf %add3A_218, %get3A_227 : vector<16xf32>
      %add3A_229 = arith.constant 2560 : i32
      %add3A_230 = arith.addi %add3A_229, %mul3A_32 : i32
      %get3A_231 = arith.index_cast %add3A_230 : i32 to index
      %get3A_232 = tpu.vector_load %arg9[%get3A_231] {strides = array<i32>} : memref<8192xf32, #tpu.memory_space<vmem>>, vector<16xf32>,
      %add3A_233 = arith.addf %add3A_223, %get3A_232 : vector<16xf32>
      %add3A_234 = arith.constant 2560 : i32
      %add3A_235 = arith.addi %add3A_234, %mul3A_32 : i32
      %get3A_236 = arith.index_cast %add3A_235 : i32 to index
      %get3A_237 = tpu.vector_load %arg10[%get3A_236] {strides = array<i32>} : memref<8192xf32, #tpu.memory_space<vmem>>, vector<16xf32>,
      %add3A_238 = arith.addf %add3A_228, %get3A_237 : vector<16xf32>
      %add3A_239 = arith.constant 2560 : i32
      %add3A_240 = arith.addi %add3A_239, %mul3A_32 : i32
      %get3A_241 = arith.index_cast %add3A_240 : i32 to index
      %get3A_242 = tpu.vector_load %arg11[%get3A_241] {strides = array<i32>} : memref<8192xf32, #tpu.memory_space<vmem>>, vector<16xf32>,
      %add3A_243 = arith.addf %add3A_233, %get3A_242 : vector<16xf32>
      %add3A_244 = arith.constant 2560 : i32
      %add3A_245 = arith.addi %add3A_244, %mul3A_32 : i32
      %get3A_246 = arith.index_cast %add3A_245 : i32 to index
      %get3A_247 = tpu.vector_load %arg12[%get3A_246] {strides = array<i32>} : memref<8192xf32, #tpu.memory_space<vmem>>, vector<16xf32>,
      %add3A_248 = arith.addf %add3A_238, %get3A_247 : vector<16xf32>
      %add3A_249 = arith.constant 2560 : i32
      %add3A_250 = arith.addi %add3A_249, %mul3A_32 : i32
      %get3A_251 = arith.index_cast %add3A_250 : i32 to index
      %get3A_252 = tpu.vector_load %arg13[%get3A_251] {strides = array<i32>} : memref<8192xf32, #tpu.memory_space<vmem>>, vector<16xf32>,
      %add3A_253 = arith.addf %add3A_243, %get3A_252 : vector<16xf32>
      %add3A_254 = arith.constant 3072 : i32
      %add3A_255 = arith.addi %add3A_254, %mul3A_32 : i32
      %get3A_256 = arith.index_cast %add3A_255 : i32 to index
      %get3A_257 = tpu.vector_load %arg6[%get3A_256] {strides = array<i32>} : memref<8192xf32, #tpu.memory_space<vmem>>, vector<16xf32>,
      %add3A_258 = arith.addf %add3A_248, %get3A_257 : vector<16xf32>
      %add3A_259 = arith.constant 3072 : i32
      %add3A_260 = arith.addi %add3A_259, %mul3A_32 : i32
      %get3A_261 = arith.index_cast %add3A_260 : i32 to index
      %get3A_262 = tpu.vector_load %arg7[%get3A_261] {strides = array<i32>} : memref<8192xf32, #tpu.memory_space<vmem>>, vector<16xf32>,
      %add3A_263 = arith.addf %add3A_253, %get3A_262 : vector<16xf32>
      %add3A_264 = arith.constant 3072 : i32
      %add3A_265 = arith.addi %add3A_264, %mul3A_32 : i32
      %get3A_266 = arith.index_cast %add3A_265 : i32 to index
      %get3A_267 = tpu.vector_load %arg8[%get3A_266] {strides = array<i32>} : memref<8192xf32, #tpu.memory_space<vmem>>, vector<16xf32>,
      %add3A_268 = arith.addf %add3A_258, %get3A_267 : vector<16xf32>
      %add3A_269 = arith.constant 3072 : i32
      %add3A_270 = arith.addi %add3A_269, %mul3A_32 : i32
      %get3A_271 = arith.index_cast %add3A_270 : i32 to index
      %get3A_272 = tpu.vector_load %arg9[%get3A_271] {strides = array<i32>} : memref<8192xf32, #tpu.memory_space<vmem>>, vector<16xf32>,
      %add3A_273 = arith.addf %add3A_263, %get3A_272 : vector<16xf32>
      %add3A_274 = arith.constant 3072 : i32
      %add3A_275 = arith.addi %add3A_274, %mul3A_32 : i32
      %get3A_276 = arith.index_cast %add3A_275 : i32 to index
      %get3A_277 = tpu.vector_load %arg10[%get3A_276] {strides = array<i32>} : memref<8192xf32, #tpu.memory_space<vmem>>, vector<16xf32>,
      %add3A_278 = arith.addf %add3A_268, %get3A_277 : vector<16xf32>
      %add3A_279 = arith.constant 3072 : i32
      %add3A_280 = arith.addi %add3A_279, %mul3A_32 : i32
      %get3A_281 = arith.index_cast %add3A_280 : i32 to index
      %get3A_282 = tpu.vector_load %arg11[%get3A_281] {strides = array<i32>} : memref<8192xf32, #tpu.memory_space<vmem>>, vector<16xf32>,
      %add3A_283 = arith.addf %add3A_273, %get3A_282 : vector<16xf32>
      %add3A_284 = arith.constant 3072 : i32
      %add3A_285 = arith.addi %add3A_284, %mul3A_32 : i32
      %get3A_286 = arith.index_cast %add3A_285 : i32 to index
      %get3A_287 = tpu.vector_load %arg12[%get3A_286] {strides = array<i32>} : memref<8192xf32, #tpu.memory_space<vmem>>, vector<16xf32>,
      %add3A_288 = arith.addf %add3A_278, %get3A_287 : vector<16xf32>
      %add3A_289 = arith.constant 3072 : i32
      %add3A_290 = arith.addi %add3A_289, %mul3A_32 : i32
      %get3A_291 = arith.index_cast %add3A_290 : i32 to index
      %get3A_292 = tpu.vector_load %arg13[%get3A_291] {strides = array<i32>} : memref<8192xf32, #tpu.memory_space<vmem>>, vector<16xf32>,
      %add3A_293 = arith.addf %add3A_283, %get3A_292 : vector<16xf32>
      %add3A_294 = arith.constant 3584 : i32
      %add3A_295 = arith.addi %add3A_294, %mul3A_32 : i32
      %get3A_296 = arith.index_cast %add3A_295 : i32 to index
      %get3A_297 = tpu.vector_load %arg6[%get3A_296] {strides = array<i32>} : memref<8192xf32, #tpu.memory_space<vmem>>, vector<16xf32>,
      %add3A_298 = arith.addf %add3A_288, %get3A_297 : vector<16xf32>
      %add3A_299 = arith.constant 3584 : i32
      %add3A_300 = arith.addi %add3A_299, %mul3A_32 : i32
      %get3A_301 = arith.index_cast %add3A_300 : i32 to index
      %get3A_302 = tpu.vector_load %arg7[%get3A_301] {strides = array<i32>} : memref<8192xf32, #tpu.memory_space<vmem>>, vector<16xf32>,
      %add3A_303 = arith.addf %add3A_293, %get3A_302 : vector<16xf32>
      %add3A_304 = arith.constant 3584 : i32
      %add3A_305 = arith.addi %add3A_304, %mul3A_32 : i32
      %get3A_306 = arith.index_cast %add3A_305 : i32 to index
      %get3A_307 = tpu.vector_load %arg8[%get3A_306] {strides = array<i32>} : memref<8192xf32, #tpu.memory_space<vmem>>, vector<16xf32>,
      %add3A_308 = arith.addf %add3A_298, %get3A_307 : vector<16xf32>
      %add3A_309 = arith.constant 3584 : i32
      %add3A_310 = arith.addi %add3A_309, %mul3A_32 : i32
      %get3A_311 = arith.index_cast %add3A_310 : i32 to index
      %get3A_312 = tpu.vector_load %arg9[%get3A_311] {strides = array<i32>} : memref<8192xf32, #tpu.memory_space<vmem>>, vector<16xf32>,
      %add3A_313 = arith.addf %add3A_303, %get3A_312 : vector<16xf32>
      %add3A_314 = arith.constant 3584 : i32
      %add3A_315 = arith.addi %add3A_314, %mul3A_32 : i32
      %get3A_316 = arith.index_cast %add3A_315 : i32 to index
      %get3A_317 = tpu.vector_load %arg10[%get3A_316] {strides = array<i32>} : memref<8192xf32, #tpu.memory_space<vmem>>, vector<16xf32>,
      %add3A_318 = arith.addf %add3A_308, %get3A_317 : vector<16xf32>
      %add3A_319 = arith.constant 3584 : i32
      %add3A_320 = arith.addi %add3A_319, %mul3A_32 : i32
      %get3A_321 = arith.index_cast %add3A_320 : i32 to index
      %get3A_322 = tpu.vector_load %arg11[%get3A_321] {strides = array<i32>} : memref<8192xf32, #tpu.memory_space<vmem>>, vector<16xf32>,
      %add3A_323 = arith.addf %add3A_313, %get3A_322 : vector<16xf32>
      %add3A_324 = arith.constant 3584 : i32
      %add3A_325 = arith.addi %add3A_324, %mul3A_32 : i32
      %get3A_326 = arith.index_cast %add3A_325 : i32 to index
      %get3A_327 = tpu.vector_load %arg12[%get3A_326] {strides = array<i32>} : memref<8192xf32, #tpu.memory_space<vmem>>, vector<16xf32>,
      %add3A_328 = arith.addf %add3A_318, %get3A_327 : vector<16xf32>
      %add3A_329 = arith.constant 3584 : i32
      %add3A_330 = arith.addi %add3A_329, %mul3A_32 : i32
      %get3A_331 = arith.index_cast %add3A_330 : i32 to index
      %get3A_332 = tpu.vector_load %arg13[%get3A_331] {strides = array<i32>} : memref<8192xf32, #tpu.memory_space<vmem>>, vector<16xf32>,
      %add3A_333 = arith.addf %add3A_323, %get3A_332 : vector<16xf32>
      %add3A_334 = arith.constant 4096 : i32
      %add3A_335 = arith.addi %add3A_334, %mul3A_32 : i32
      %get3A_336 = arith.index_cast %add3A_335 : i32 to index
      %get3A_337 = tpu.vector_load %arg6[%get3A_336] {strides = array<i32>} : memref<8192xf32, #tpu.memory_space<vmem>>, vector<16xf32>,
      %add3A_338 = arith.addf %add3A_328, %get3A_337 : vector<16xf32>
      %add3A_339 = arith.constant 4096 : i32
      %add3A_340 = arith.addi %add3A_339, %mul3A_32 : i32
      %get3A_341 = arith.index_cast %add3A_340 : i32 to index
      %get3A_342 = tpu.vector_load %arg7[%get3A_341] {strides = array<i32>} : memref<8192xf32, #tpu.memory_space<vmem>>, vector<16xf32>,
      %add3A_343 = arith.addf %add3A_333, %get3A_342 : vector<16xf32>
      %add3A_344 = arith.constant 4096 : i32
      %add3A_345 = arith.addi %add3A_344, %mul3A_32 : i32
      %get3A_346 = arith.index_cast %add3A_345 : i32 to index
      %get3A_347 = tpu.vector_load %arg8[%get3A_346] {strides = array<i32>} : memref<8192xf32, #tpu.memory_space<vmem>>, vector<16xf32>,
      %add3A_348 = arith.addf %add3A_338, %get3A_347 : vector<16xf32>
      %add3A_349 = arith.constant 4096 : i32
      %add3A_350 = arith.addi %add3A_349, %mul3A_32 : i32
      %get3A_351 = arith.index_cast %add3A_350 : i32 to index
      %get3A_352 = tpu.vector_load %arg9[%get3A_351] {strides = array<i32>} : memref<8192xf32, #tpu.memory_space<vmem>>, vector<16xf32>,
      %add3A_353 = arith.addf %add3A_343, %get3A_352 : vector<16xf32>
      %add3A_354 = arith.constant 4096 : i32
      %add3A_355 = arith.addi %add3A_354, %mul3A_32 : i32
      %get3A_356 = arith.index_cast %add3A_355 : i32 to index
      %get3A_357 = tpu.vector_load %arg10[%get3A_356] {strides = array<i32>} : memref<8192xf32, #tpu.memory_space<vmem>>, vector<16xf32>,
      %add3A_358 = arith.addf %add3A_348, %get3A_357 : vector<16xf32>
      %add3A_359 = arith.constant 4096 : i32
      %add3A_360 = arith.addi %add3A_359, %mul3A_32 : i32
      %get3A_361 = arith.index_cast %add3A_360 : i32 to index
      %get3A_362 = tpu.vector_load %arg11[%get3A_361] {strides = array<i32>} : memref<8192xf32, #tpu.memory_space<vmem>>, vector<16xf32>,
      %add3A_363 = arith.addf %add3A_353, %get3A_362 : vector<16xf32>
      %add3A_364 = arith.constant 4096 : i32
      %add3A_365 = arith.addi %add3A_364, %mul3A_32 : i32
      %get3A_366 = arith.index_cast %add3A_365 : i32 to index
      %get3A_367 = tpu.vector_load %arg12[%get3A_366] {strides = array<i32>} : memref<8192xf32, #tpu.memory_space<vmem>>, vector<16xf32>,
      %add3A_368 = arith.addf %add3A_358, %get3A_367 : vector<16xf32>
      %add3A_369 = arith.constant 4096 : i32
      %add3A_370 = arith.addi %add3A_369, %mul3A_32 : i32
      %get3A_371 = arith.index_cast %add3A_370 : i32 to index
      %get3A_372 = tpu.vector_load %arg13[%get3A_371] {strides = array<i32>} : memref<8192xf32, #tpu.memory_space<vmem>>, vector<16xf32>,
      %add3A_373 = arith.addf %add3A_363, %get3A_372 : vector<16xf32>
      %add3A_374 = arith.constant 4608 : i32
      %add3A_375 = arith.addi %add3A_374, %mul3A_32 : i32
      %get3A_376 = arith.index_cast %add3A_375 : i32 to index
      %get3A_377 = tpu.vector_load %arg6[%get3A_376] {strides = array<i32>} : memref<8192xf32, #tpu.memory_space<vmem>>, vector<16xf32>,
      %add3A_378 = arith.addf %add3A_368, %get3A_377 : vector<16xf32>
      %add3A_379 = arith.constant 4608 : i32
      %add3A_380 = arith.addi %add3A_379, %mul3A_32 : i32
      %get3A_381 = arith.index_cast %add3A_380 : i32 to index
      %get3A_382 = tpu.vector_load %arg7[%get3A_381] {strides = array<i32>} : memref<8192xf32, #tpu.memory_space<vmem>>, vector<16xf32>,
      %add3A_383 = arith.addf %add3A_373, %get3A_382 : vector<16xf32>
      %add3A_384 = arith.constant 4608 : i32
      %add3A_385 = arith.addi %add3A_384, %mul3A_32 : i32
      %get3A_386 = arith.index_cast %add3A_385 : i32 to index
      %get3A_387 = tpu.vector_load %arg8[%get3A_386] {strides = array<i32>} : memref<8192xf32, #tpu.memory_space<vmem>>, vector<16xf32>,
      %add3A_388 = arith.addf %add3A_378, %get3A_387 : vector<16xf32>
      %add3A_389 = arith.constant 4608 : i32
      %add3A_390 = arith.addi %add3A_389, %mul3A_32 : i32
      %get3A_391 = arith.index_cast %add3A_390 : i32 to index
      %get3A_392 = tpu.vector_load %arg9[%get3A_391] {strides = array<i32>} : memref<8192xf32, #tpu.memory_space<vmem>>, vector<16xf32>,
      %add3A_393 = arith.addf %add3A_383, %get3A_392 : vector<16xf32>
      %add3A_394 = arith.constant 4608 : i32
      %add3A_395 = arith.addi %add3A_394, %mul3A_32 : i32
      %get3A_396 = arith.index_cast %add3A_395 : i32 to index
      %get3A_397 = tpu.vector_load %arg10[%get3A_396] {strides = array<i32>} : memref<8192xf32, #tpu.memory_space<vmem>>, vector<16xf32>,
      %add3A_398 = arith.addf %add3A_388, %get3A_397 : vector<16xf32>
      %add3A_399 = arith.constant 4608 : i32
      %add3A_400 = arith.addi %add3A_399, %mul3A_32 : i32
      %get3A_401 = arith.index_cast %add3A_400 : i32 to index
      %get3A_402 = tpu.vector_load %arg11[%get3A_401] {strides = array<i32>} : memref<8192xf32, #tpu.memory_space<vmem>>, vector<16xf32>,
      %add3A_403 = arith.addf %add3A_393, %get3A_402 : vector<16xf32>
      %add3A_404 = arith.constant 4608 : i32
      %add3A_405 = arith.addi %add3A_404, %mul3A_32 : i32
      %get3A_406 = arith.index_cast %add3A_405 : i32 to index
      %get3A_407 = tpu.vector_load %arg12[%get3A_406] {strides = array<i32>} : memref<8192xf32, #tpu.memory_space<vmem>>, vector<16xf32>,
      %add3A_408 = arith.addf %add3A_398, %get3A_407 : vector<16xf32>
      %add3A_409 = arith.constant 4608 : i32
      %add3A_410 = arith.addi %add3A_409, %mul3A_32 : i32
      %get3A_411 = arith.index_cast %add3A_410 : i32 to index
      %get3A_412 = tpu.vector_load %arg13[%get3A_411] {strides = array<i32>} : memref<8192xf32, #tpu.memory_space<vmem>>, vector<16xf32>,
      %add3A_413 = arith.addf %add3A_403, %get3A_412 : vector<16xf32>
      %add3A_414 = arith.constant 5120 : i32
      %add3A_415 = arith.addi %add3A_414, %mul3A_32 : i32
      %get3A_416 = arith.index_cast %add3A_415 : i32 to index
      %get3A_417 = tpu.vector_load %arg6[%get3A_416] {strides = array<i32>} : memref<8192xf32, #tpu.memory_space<vmem>>, vector<16xf32>,
      %add3A_418 = arith.addf %add3A_408, %get3A_417 : vector<16xf32>
      %add3A_419 = arith.constant 5120 : i32
      %add3A_420 = arith.addi %add3A_419, %mul3A_32 : i32
      %get3A_421 = arith.index_cast %add3A_420 : i32 to index
      %get3A_422 = tpu.vector_load %arg7[%get3A_421] {strides = array<i32>} : memref<8192xf32, #tpu.memory_space<vmem>>, vector<16xf32>,
      %add3A_423 = arith.addf %add3A_413, %get3A_422 : vector<16xf32>
      %add3A_424 = arith.constant 5120 : i32
      %add3A_425 = arith.addi %add3A_424, %mul3A_32 : i32
      %get3A_426 = arith.index_cast %add3A_425 : i32 to index
      %get3A_427 = tpu.vector_load %arg8[%get3A_426] {strides = array<i32>} : memref<8192xf32, #tpu.memory_space<vmem>>, vector<16xf32>,
      %add3A_428 = arith.addf %add3A_418, %get3A_427 : vector<16xf32>
      %add3A_429 = arith.constant 5120 : i32
      %add3A_430 = arith.addi %add3A_429, %mul3A_32 : i32
      %get3A_431 = arith.index_cast %add3A_430 : i32 to index
      %get3A_432 = tpu.vector_load %arg9[%get3A_431] {strides = array<i32>} : memref<8192xf32, #tpu.memory_space<vmem>>, vector<16xf32>,
      %add3A_433 = arith.addf %add3A_423, %get3A_432 : vector<16xf32>
      %add3A_434 = arith.constant 5120 : i32
      %add3A_435 = arith.addi %add3A_434, %mul3A_32 : i32
      %get3A_436 = arith.index_cast %add3A_435 : i32 to index
      %get3A_437 = tpu.vector_load %arg10[%get3A_436] {strides = array<i32>} : memref<8192xf32, #tpu.memory_space<vmem>>, vector<16xf32>,
      %add3A_438 = arith.addf %add3A_428, %get3A_437 : vector<16xf32>
      %add3A_439 = arith.constant 5120 : i32
      %add3A_440 = arith.addi %add3A_439, %mul3A_32 : i32
      %get3A_441 = arith.index_cast %add3A_440 : i32 to index
      %get3A_442 = tpu.vector_load %arg11[%get3A_441] {strides = array<i32>} : memref<8192xf32, #tpu.memory_space<vmem>>, vector<16xf32>,
      %add3A_443 = arith.addf %add3A_433, %get3A_442 : vector<16xf32>
      %add3A_444 = arith.constant 5120 : i32
      %add3A_445 = arith.addi %add3A_444, %mul3A_32 : i32
      %get3A_446 = arith.index_cast %add3A_445 : i32 to index
      %get3A_447 = tpu.vector_load %arg12[%get3A_446] {strides = array<i32>} : memref<8192xf32, #tpu.memory_space<vmem>>, vector<16xf32>,
      %add3A_448 = arith.addf %add3A_438, %get3A_447 : vector<16xf32>
      %add3A_449 = arith.constant 5120 : i32
      %add3A_450 = arith.addi %add3A_449, %mul3A_32 : i32
      %get3A_451 = arith.index_cast %add3A_450 : i32 to index
      %get3A_452 = tpu.vector_load %arg13[%get3A_451] {strides = array<i32>} : memref<8192xf32, #tpu.memory_space<vmem>>, vector<16xf32>,
      %add3A_453 = arith.addf %add3A_443, %get3A_452 : vector<16xf32>
      %add3A_454 = arith.constant 5632 : i32
      %add3A_455 = arith.addi %add3A_454, %mul3A_32 : i32
      %get3A_456 = arith.index_cast %add3A_455 : i32 to index
      %get3A_457 = tpu.vector_load %arg6[%get3A_456] {strides = array<i32>} : memref<8192xf32, #tpu.memory_space<vmem>>, vector<16xf32>,
      %add3A_458 = arith.addf %add3A_448, %get3A_457 : vector<16xf32>
      %add3A_459 = arith.constant 5632 : i32
      %add3A_460 = arith.addi %add3A_459, %mul3A_32 : i32
      %get3A_461 = arith.index_cast %add3A_460 : i32 to index
      %get3A_462 = tpu.vector_load %arg7[%get3A_461] {strides = array<i32>} : memref<8192xf32, #tpu.memory_space<vmem>>, vector<16xf32>,
      %add3A_463 = arith.addf %add3A_453, %get3A_462 : vector<16xf32>
      %add3A_464 = arith.constant 5632 : i32
      %add3A_465 = arith.addi %add3A_464, %mul3A_32 : i32
      %get3A_466 = arith.index_cast %add3A_465 : i32 to index
      %get3A_467 = tpu.vector_load %arg8[%get3A_466] {strides = array<i32>} : memref<8192xf32, #tpu.memory_space<vmem>>, vector<16xf32>,
      %add3A_468 = arith.addf %add3A_458, %get3A_467 : vector<16xf32>
      %add3A_469 = arith.constant 5632 : i32
      %add3A_470 = arith.addi %add3A_469, %mul3A_32 : i32
      %get3A_471 = arith.index_cast %add3A_470 : i32 to index
      %get3A_472 = tpu.vector_load %arg9[%get3A_471] {strides = array<i32>} : memref<8192xf32, #tpu.memory_space<vmem>>, vector<16xf32>,
      %add3A_473 = arith.addf %add3A_463, %get3A_472 : vector<16xf32>
      %add3A_474 = arith.constant 5632 : i32
      %add3A_475 = arith.addi %add3A_474, %mul3A_32 : i32
      %get3A_476 = arith.index_cast %add3A_475 : i32 to index
      %get3A_477 = tpu.vector_load %arg10[%get3A_476] {strides = array<i32>} : memref<8192xf32, #tpu.memory_space<vmem>>, vector<16xf32>,
      %add3A_478 = arith.addf %add3A_468, %get3A_477 : vector<16xf32>
      %add3A_479 = arith.constant 5632 : i32
      %add3A_480 = arith.addi %add3A_479, %mul3A_32 : i32
      %get3A_481 = arith.index_cast %add3A_480 : i32 to index
      %get3A_482 = tpu.vector_load %arg11[%get3A_481] {strides = array<i32>} : memref<8192xf32, #tpu.memory_space<vmem>>, vector<16xf32>,
      %add3A_483 = arith.addf %add3A_473, %get3A_482 : vector<16xf32>
      %add3A_484 = arith.constant 5632 : i32
      %add3A_485 = arith.addi %add3A_484, %mul3A_32 : i32
      %get3A_486 = arith.index_cast %add3A_485 : i32 to index
      %get3A_487 = tpu.vector_load %arg12[%get3A_486] {strides = array<i32>} : memref<8192xf32, #tpu.memory_space<vmem>>, vector<16xf32>,
      %add3A_488 = arith.addf %add3A_478, %get3A_487 : vector<16xf32>
      %add3A_489 = arith.constant 5632 : i32
      %add3A_490 = arith.addi %add3A_489, %mul3A_32 : i32
      %get3A_491 = arith.index_cast %add3A_490 : i32 to index
      %get3A_492 = tpu.vector_load %arg13[%get3A_491] {strides = array<i32>} : memref<8192xf32, #tpu.memory_space<vmem>>, vector<16xf32>,
      %add3A_493 = arith.addf %add3A_483, %get3A_492 : vector<16xf32>
      %add3A_494 = arith.constant 6144 : i32
      %add3A_495 = arith.addi %add3A_494, %mul3A_32 : i32
      %get3A_496 = arith.index_cast %add3A_495 : i32 to index
      %get3A_497 = tpu.vector_load %arg6[%get3A_496] {strides = array<i32>} : memref<8192xf32, #tpu.memory_space<vmem>>, vector<16xf32>,
      %add3A_498 = arith.addf %add3A_488, %get3A_497 : vector<16xf32>
      %add3A_499 = arith.constant 6144 : i32
      %add3A_500 = arith.addi %add3A_499, %mul3A_32 : i32
      %get3A_501 = arith.index_cast %add3A_500 : i32 to index
      %get3A_502 = tpu.vector_load %arg7[%get3A_501] {strides = array<i32>} : memref<8192xf32, #tpu.memory_space<vmem>>, vector<16xf32>,
      %add3A_503 = arith.addf %add3A_493, %get3A_502 : vector<16xf32>
      %add3A_504 = arith.constant 6144 : i32
      %add3A_505 = arith.addi %add3A_504, %mul3A_32 : i32
      %get3A_506 = arith.index_cast %add3A_505 : i32 to index
      %get3A_507 = tpu.vector_load %arg8[%get3A_506] {strides = array<i32>} : memref<8192xf32, #tpu.memory_space<vmem>>, vector<16xf32>,
      %add3A_508 = arith.addf %add3A_498, %get3A_507 : vector<16xf32>
      %add3A_509 = arith.constant 6144 : i32
      %add3A_510 = arith.addi %add3A_509, %mul3A_32 : i32
      %get3A_511 = arith.index_cast %add3A_510 : i32 to index
      %get3A_512 = tpu.vector_load %arg9[%get3A_511] {strides = array<i32>} : memref<8192xf32, #tpu.memory_space<vmem>>, vector<16xf32>,
      %add3A_513 = arith.addf %add3A_503, %get3A_512 : vector<16xf32>
      %add3A_514 = arith.constant 6144 : i32
      %add3A_515 = arith.addi %add3A_514, %mul3A_32 : i32
      %get3A_516 = arith.index_cast %add3A_515 : i32 to index
      %get3A_517 = tpu.vector_load %arg10[%get3A_516] {strides = array<i32>} : memref<8192xf32, #tpu.memory_space<vmem>>, vector<16xf32>,
      %add3A_518 = arith.addf %add3A_508, %get3A_517 : vector<16xf32>
      %add3A_519 = arith.constant 6144 : i32
      %add3A_520 = arith.addi %add3A_519, %mul3A_32 : i32
      %get3A_521 = arith.index_cast %add3A_520 : i32 to index
      %get3A_522 = tpu.vector_load %arg11[%get3A_521] {strides = array<i32>} : memref<8192xf32, #tpu.memory_space<vmem>>, vector<16xf32>,
      %add3A_523 = arith.addf %add3A_513, %get3A_522 : vector<16xf32>
      %add3A_524 = arith.constant 6144 : i32
      %add3A_525 = arith.addi %add3A_524, %mul3A_32 : i32
      %get3A_526 = arith.index_cast %add3A_525 : i32 to index
      %get3A_527 = tpu.vector_load %arg12[%get3A_526] {strides = array<i32>} : memref<8192xf32, #tpu.memory_space<vmem>>, vector<16xf32>,
      %add3A_528 = arith.addf %add3A_518, %get3A_527 : vector<16xf32>
      %add3A_529 = arith.constant 6144 : i32
      %add3A_530 = arith.addi %add3A_529, %mul3A_32 : i32
      %get3A_531 = arith.index_cast %add3A_530 : i32 to index
      %get3A_532 = tpu.vector_load %arg13[%get3A_531] {strides = array<i32>} : memref<8192xf32, #tpu.memory_space<vmem>>, vector<16xf32>,
      %add3A_533 = arith.addf %add3A_523, %get3A_532 : vector<16xf32>
      %add3A_534 = arith.constant 6656 : i32
      %add3A_535 = arith.addi %add3A_534, %mul3A_32 : i32
      %get3A_536 = arith.index_cast %add3A_535 : i32 to index
      %get3A_537 = tpu.vector_load %arg6[%get3A_536] {strides = array<i32>} : memref<8192xf32, #tpu.memory_space<vmem>>, vector<16xf32>,
      %add3A_538 = arith.addf %add3A_528, %get3A_537 : vector<16xf32>
      %add3A_539 = arith.constant 6656 : i32
      %add3A_540 = arith.addi %add3A_539, %mul3A_32 : i32
      %get3A_541 = arith.index_cast %add3A_540 : i32 to index
      %get3A_542 = tpu.vector_load %arg7[%get3A_541] {strides = array<i32>} : memref<8192xf32, #tpu.memory_space<vmem>>, vector<16xf32>,
      %add3A_543 = arith.addf %add3A_533, %get3A_542 : vector<16xf32>
      %add3A_544 = arith.constant 6656 : i32
      %add3A_545 = arith.addi %add3A_544, %mul3A_32 : i32
      %get3A_546 = arith.index_cast %add3A_545 : i32 to index
      %get3A_547 = tpu.vector_load %arg8[%get3A_546] {strides = array<i32>} : memref<8192xf32, #tpu.memory_space<vmem>>, vector<16xf32>,
      %add3A_548 = arith.addf %add3A_538, %get3A_547 : vector<16xf32>
      %add3A_549 = arith.constant 6656 : i32
      %add3A_550 = arith.addi %add3A_549, %mul3A_32 : i32
      %get3A_551 = arith.index_cast %add3A_550 : i32 to index
      %get3A_552 = tpu.vector_load %arg9[%get3A_551] {strides = array<i32>} : memref<8192xf32, #tpu.memory_space<vmem>>, vector<16xf32>,
      %add3A_553 = arith.addf %add3A_543, %get3A_552 : vector<16xf32>
      %add3A_554 = arith.constant 6656 : i32
      %add3A_555 = arith.addi %add3A_554, %mul3A_32 : i32
      %get3A_556 = arith.index_cast %add3A_555 : i32 to index
      %get3A_557 = tpu.vector_load %arg10[%get3A_556] {strides = array<i32>} : memref<8192xf32, #tpu.memory_space<vmem>>, vector<16xf32>,
      %add3A_558 = arith.addf %add3A_548, %get3A_557 : vector<16xf32>
      %add3A_559 = arith.constant 6656 : i32
      %add3A_560 = arith.addi %add3A_559, %mul3A_32 : i32
      %get3A_561 = arith.index_cast %add3A_560 : i32 to index
      %get3A_562 = tpu.vector_load %arg11[%get3A_561] {strides = array<i32>} : memref<8192xf32, #tpu.memory_space<vmem>>, vector<16xf32>,
      %add3A_563 = arith.addf %add3A_553, %get3A_562 : vector<16xf32>
      %add3A_564 = arith.constant 6656 : i32
      %add3A_565 = arith.addi %add3A_564, %mul3A_32 : i32
      %get3A_566 = arith.index_cast %add3A_565 : i32 to index
      %get3A_567 = tpu.vector_load %arg12[%get3A_566] {strides = array<i32>} : memref<8192xf32, #tpu.memory_space<vmem>>, vector<16xf32>,
      %add3A_568 = arith.addf %add3A_558, %get3A_567 : vector<16xf32>
      %add3A_569 = arith.constant 6656 : i32
      %add3A_570 = arith.addi %add3A_569, %mul3A_32 : i32
      %get3A_571 = arith.index_cast %add3A_570 : i32 to index
      %get3A_572 = tpu.vector_load %arg13[%get3A_571] {strides = array<i32>} : memref<8192xf32, #tpu.memory_space<vmem>>, vector<16xf32>,
      %add3A_573 = arith.addf %add3A_563, %get3A_572 : vector<16xf32>
      %add3A_574 = arith.constant 7168 : i32
      %add3A_575 = arith.addi %add3A_574, %mul3A_32 : i32
      %get3A_576 = arith.index_cast %add3A_575 : i32 to index
      %get3A_577 = tpu.vector_load %arg6[%get3A_576] {strides = array<i32>} : memref<8192xf32, #tpu.memory_space<vmem>>, vector<16xf32>,
      %add3A_578 = arith.addf %add3A_568, %get3A_577 : vector<16xf32>
      %add3A_579 = arith.constant 7168 : i32
      %add3A_580 = arith.addi %add3A_579, %mul3A_32 : i32
      %get3A_581 = arith.index_cast %add3A_580 : i32 to index
      %get3A_582 = tpu.vector_load %arg7[%get3A_581] {strides = array<i32>} : memref<8192xf32, #tpu.memory_space<vmem>>, vector<16xf32>,
      %add3A_583 = arith.addf %add3A_573, %get3A_582 : vector<16xf32>
      %add3A_584 = arith.constant 7168 : i32
      %add3A_585 = arith.addi %add3A_584, %mul3A_32 : i32
      %get3A_586 = arith.index_cast %add3A_585 : i32 to index
      %get3A_587 = tpu.vector_load %arg8[%get3A_586] {strides = array<i32>} : memref<8192xf32, #tpu.memory_space<vmem>>, vector<16xf32>,
      %add3A_588 = arith.addf %add3A_578, %get3A_587 : vector<16xf32>
      %add3A_589 = arith.constant 7168 : i32
      %add3A_590 = arith.addi %add3A_589, %mul3A_32 : i32
      %get3A_591 = arith.index_cast %add3A_590 : i32 to index
      %get3A_592 = tpu.vector_load %arg9[%get3A_591] {strides = array<i32>} : memref<8192xf32, #tpu.memory_space<vmem>>, vector<16xf32>,
      %add3A_593 = arith.addf %add3A_583, %get3A_592 : vector<16xf32>
      %add3A_594 = arith.constant 7168 : i32
      %add3A_595 = arith.addi %add3A_594, %mul3A_32 : i32
      %get3A_596 = arith.index_cast %add3A_595 : i32 to index
      %get3A_597 = tpu.vector_load %arg10[%get3A_596] {strides = array<i32>} : memref<8192xf32, #tpu.memory_space<vmem>>, vector<16xf32>,
      %add3A_598 = arith.addf %add3A_588, %get3A_597 : vector<16xf32>
      %add3A_599 = arith.constant 7168 : i32
      %add3A_600 = arith.addi %add3A_599, %mul3A_32 : i32
      %get3A_601 = arith.index_cast %add3A_600 : i32 to index
      %get3A_602 = tpu.vector_load %arg11[%get3A_601] {strides = array<i32>} : memref<8192xf32, #tpu.memory_space<vmem>>, vector<16xf32>,
      %add3A_603 = arith.addf %add3A_593, %get3A_602 : vector<16xf32>
      %add3A_604 = arith.constant 7168 : i32
      %add3A_605 = arith.addi %add3A_604, %mul3A_32 : i32
      %get3A_606 = arith.index_cast %add3A_605 : i32 to index
      %get3A_607 = tpu.vector_load %arg12[%get3A_606] {strides = array<i32>} : memref<8192xf32, #tpu.memory_space<vmem>>, vector<16xf32>,
      %add3A_608 = arith.addf %add3A_598, %get3A_607 : vector<16xf32>
      %add3A_609 = arith.constant 7168 : i32
      %add3A_610 = arith.addi %add3A_609, %mul3A_32 : i32
      %get3A_611 = arith.index_cast %add3A_610 : i32 to index
      %get3A_612 = tpu.vector_load %arg13[%get3A_611] {strides = array<i32>} : memref<8192xf32, #tpu.memory_space<vmem>>, vector<16xf32>,
      %add3A_613 = arith.addf %add3A_603, %get3A_612 : vector<16xf32>
      %add3A_614 = arith.constant 7680 : i32
      %add3A_615 = arith.addi %add3A_614, %mul3A_32 : i32
      %get3A_616 = arith.index_cast %add3A_615 : i32 to index
      %get3A_617 = tpu.vector_load %arg6[%get3A_616] {strides = array<i32>} : memref<8192xf32, #tpu.memory_space<vmem>>, vector<16xf32>,
      %add3A_618 = arith.addf %add3A_608, %get3A_617 : vector<16xf32>
      %add3A_619 = arith.constant 7680 : i32
      %add3A_620 = arith.addi %add3A_619, %mul3A_32 : i32
      %get3A_621 = arith.index_cast %add3A_620 : i32 to index
      %get3A_622 = tpu.vector_load %arg7[%get3A_621] {strides = array<i32>} : memref<8192xf32, #tpu.memory_space<vmem>>, vector<16xf32>,
      %add3A_623 = arith.addf %add3A_613, %get3A_622 : vector<16xf32>
      %add3A_624 = arith.constant 7680 : i32
      %add3A_625 = arith.addi %add3A_624, %mul3A_32 : i32
      %get3A_626 = arith.index_cast %add3A_625 : i32 to index
      %get3A_627 = tpu.vector_load %arg8[%get3A_626] {strides = array<i32>} : memref<8192xf32, #tpu.memory_space<vmem>>, vector<16xf32>,
      %add3A_628 = arith.addf %add3A_618, %get3A_627 : vector<16xf32>
      %add3A_629 = arith.constant 7680 : i32
      %add3A_630 = arith.addi %add3A_629, %mul3A_32 : i32
      %get3A_631 = arith.index_cast %add3A_630 : i32 to index
      %get3A_632 = tpu.vector_load %arg9[%get3A_631] {strides = array<i32>} : memref<8192xf32, #tpu.memory_space<vmem>>, vector<16xf32>,
      %add3A_633 = arith.addf %add3A_623, %get3A_632 : vector<16xf32>
      %add3A_634 = arith.constant 7680 : i32
      %add3A_635 = arith.addi %add3A_634, %mul3A_32 : i32
      %get3A_636 = arith.index_cast %add3A_635 : i32 to index
      %get3A_637 = tpu.vector_load %arg10[%get3A_636] {strides = array<i32>} : memref<8192xf32, #tpu.memory_space<vmem>>, vector<16xf32>,
      %add3A_638 = arith.addf %add3A_628, %get3A_637 : vector<16xf32>
      %add3A_639 = arith.constant 7680 : i32
      %add3A_640 = arith.addi %add3A_639, %mul3A_32 : i32
      %get3A_641 = arith.index_cast %add3A_640 : i32 to index
      %get3A_642 = tpu.vector_load %arg11[%get3A_641] {strides = array<i32>} : memref<8192xf32, #tpu.memory_space<vmem>>, vector<16xf32>,
      %add3A_643 = arith.addf %add3A_633, %get3A_642 : vector<16xf32>
      %add3A_644 = arith.constant 7680 : i32
      %add3A_645 = arith.addi %add3A_644, %mul3A_32 : i32
      %get3A_646 = arith.index_cast %add3A_645 : i32 to index
      %get3A_647 = tpu.vector_load %arg12[%get3A_646] {strides = array<i32>} : memref<8192xf32, #tpu.memory_space<vmem>>, vector<16xf32>,
      %add3A_648 = arith.addf %add3A_638, %get3A_647 : vector<16xf32>
      %add3A_649 = arith.constant 7680 : i32
      %add3A_650 = arith.addi %add3A_649, %mul3A_32 : i32
      %get3A_651 = arith.index_cast %add3A_650 : i32 to index
      %get3A_652 = tpu.vector_load %arg13[%get3A_651] {strides = array<i32>} : memref<8192xf32, #tpu.memory_space<vmem>>, vector<16xf32>,
      %add3A_653 = arith.addf %add3A_643, %get3A_652 : vector<16xf32>
      %swap3A = arith.index_cast %mul3A_32 : i32 to index
      %swap3A_654 = tpu.vector_load %arg6[%swap3A] {strides = array<i32>} : memref<8192xf32, #tpu.memory_space<vmem>>, vector<16xf32>,
      tpu.vector_store %arg6[%swap3A], %add3A_648 {strides = array<i32>} : memref<8192xf32, #tpu.memory_space<vmem>>, vector<16xf32>,
      %swap3A_655 = arith.index_cast %mul3A_32 : i32 to index
      %swap3A_656 = tpu.vector_load %arg7[%swap3A_655] {strides = array<i32>} : memref<8192xf32, #tpu.memory_space<vmem>>, vector<16xf32>,
      tpu.vector_store %arg7[%swap3A_655], %add3A_653 {strides = array<i32>} : memref<8192xf32, #tpu.memory_space<vmem>>, vector<16xf32>,
      %scan3A_657 = arith.constant 0 : i32
      scf.yield %scan3A_657 : i32
    }
    %scan3A_28 = arith.constant 32 : i32
    "tpu.region"() ({
      %run_scoped3A = tpu.sem_alloc : memref<!tpu.dma_semaphore, #tpu.memory_space<semaphore_mem>>
      %dma_start3A = arith.constant 0 : i32
      %dma_start3A_29 = tpu.memref_slice %arg6[%dma_start3A] : memref<8192xf32, #tpu.memory_space<vmem>> -> memref<512xf32, #tpu.memory_space<vmem>>
      %dma_start3A_30 = arith.constant 0 : i32
      %dma_start3A_31 = tpu.memref_slice %arg3[%add3A, %dma_start3A_30] : memref<32x512xf32, #tpu.memory_space<hbm>> -> memref<1x512xf32, #tpu.memory_space<hbm>>
      %dma_start3A_32 = tpu.memref_squeeze %dma_start3A_31 : memref<1x512xf32, #tpu.memory_space<hbm>> -> memref<512xf32, #tpu.memory_space<hbm>>
      %dma_start3A_33 = arith.constant 0 : i32
      %dma_start3A_34 = tpu.memref_slice %arg3[%add3A, %dma_start3A_33] : memref<32x512xf32, #tpu.memory_space<hbm>> -> memref<1x512xf32, #tpu.memory_space<hbm>>
      %dma_start3A_35 = tpu.memref_squeeze %dma_start3A_34 : memref<1x512xf32, #tpu.memory_space<hbm>> -> memref<512xf32, #tpu.memory_space<hbm>>
      %dma_start3A_36 = arith.constant 0 : i32
      %dma_start3A_37 = tpu.memref_slice %arg6[%dma_start3A_36] : memref<8192xf32, #tpu.memory_space<vmem>> -> memref<512xf32, #tpu.memory_space<vmem>>
      tpu.enqueue_dma source(%dma_start3A_37 : memref<512xf32, #tpu.memory_space<vmem>>) target(%dma_start3A_35 : memref<512xf32, #tpu.memory_space<hbm>>) target_semaphore(%run_scoped3A : memref<!tpu.dma_semaphore, #tpu.memory_space<semaphore_mem>>)
      %dma_wait3A = arith.constant 0 : i32
      %dma_wait3A_38 = tpu.memref_slice %arg6[%dma_wait3A] : memref<8192xf32, #tpu.memory_space<vmem>> -> memref<512xf32, #tpu.memory_space<vmem>>
      %dma_wait3A_39 = arith.constant 0 : i32
      %dma_wait3A_40 = tpu.memref_slice %arg3[%add3A, %dma_wait3A_39] : memref<32x512xf32, #tpu.memory_space<hbm>> -> memref<1x512xf32, #tpu.memory_space<hbm>>
      %dma_wait3A_41 = tpu.memref_squeeze %dma_wait3A_40 : memref<1x512xf32, #tpu.memory_space<hbm>> -> memref<512xf32, #tpu.memory_space<hbm>>
      %dma_wait3A_42 = arith.constant 0 : i32
      %dma_wait3A_43 = tpu.memref_slice %arg3[%add3A, %dma_wait3A_42] : memref<32x512xf32, #tpu.memory_space<hbm>> -> memref<1x512xf32, #tpu.memory_space<hbm>>
      %dma_wait3A_44 = tpu.memref_squeeze %dma_wait3A_43 : memref<1x512xf32, #tpu.memory_space<hbm>> -> memref<512xf32, #tpu.memory_space<hbm>>
      %dma_wait3A_45 = arith.constant 0 : i32
      %dma_wait3A_46 = tpu.memref_slice %arg6[%dma_wait3A_45] : memref<8192xf32, #tpu.memory_space<vmem>> -> memref<512xf32, #tpu.memory_space<vmem>>
      tpu.wait_dma2 semaphore(%run_scoped3A : memref<!tpu.dma_semaphore, #tpu.memory_space<semaphore_mem>>) src(%dma_wait3A_46 : memref<512xf32, #tpu.memory_space<vmem>>) dst(%dma_wait3A_44 : memref<512xf32, #tpu.memory_space<hbm>>)
      tpu.yield
    }) : () -> ()
    "tpu.region"() ({
      %run_scoped3A = tpu.sem_alloc : memref<!tpu.dma_semaphore, #tpu.memory_space<semaphore_mem>>
      %dma_start3A = arith.constant 0 : i32
      %dma_start3A_29 = tpu.memref_slice %arg7[%dma_start3A] : memref<8192xf32, #tpu.memory_space<vmem>> -> memref<512xf32, #tpu.memory_space<vmem>>
      %dma_start3A_30 = arith.constant 0 : i32
      %dma_start3A_31 = tpu.memref_slice %arg4[%add3A, %dma_start3A_30] : memref<32x512xf32, #tpu.memory_space<hbm>> -> memref<1x512xf32, #tpu.memory_space<hbm>>
      %dma_start3A_32 = tpu.memref_squeeze %dma_start3A_31 : memref<1x512xf32, #tpu.memory_space<hbm>> -> memref<512xf32, #tpu.memory_space<hbm>>
      %dma_start3A_33 = arith.constant 0 : i32
      %dma_start3A_34 = tpu.memref_slice %arg4[%add3A, %dma_start3A_33] : memref<32x512xf32, #tpu.memory_space<hbm>> -> memref<1x512xf32, #tpu.memory_space<hbm>>
      %dma_start3A_35 = tpu.memref_squeeze %dma_start3A_34 : memref<1x512xf32, #tpu.memory_space<hbm>> -> memref<512xf32, #tpu.memory_space<hbm>>
      %dma_start3A_36 = arith.constant 0 : i32
      %dma_start3A_37 = tpu.memref_slice %arg7[%dma_start3A_36] : memref<8192xf32, #tpu.memory_space<vmem>> -> memref<512xf32, #tpu.memory_space<vmem>>
      tpu.enqueue_dma source(%dma_start3A_37 : memref<512xf32, #tpu.memory_space<vmem>>) target(%dma_start3A_35 : memref<512xf32, #tpu.memory_space<hbm>>) target_semaphore(%run_scoped3A : memref<!tpu.dma_semaphore, #tpu.memory_space<semaphore_mem>>)
      %dma_wait3A = arith.constant 0 : i32
      %dma_wait3A_38 = tpu.memref_slice %arg7[%dma_wait3A] : memref<8192xf32, #tpu.memory_space<vmem>> -> memref<512xf32, #tpu.memory_space<vmem>>
      %dma_wait3A_39 = arith.constant 0 : i32
      %dma_wait3A_40 = tpu.memref_slice %arg4[%add3A, %dma_wait3A_39] : memref<32x512xf32, #tpu.memory_space<hbm>> -> memref<1x512xf32, #tpu.memory_space<hbm>>
      %dma_wait3A_41 = tpu.memref_squeeze %dma_wait3A_40 : memref<1x512xf32, #tpu.memory_space<hbm>> -> memref<512xf32, #tpu.memory_space<hbm>>
      %dma_wait3A_42 = arith.constant 0 : i32
      %dma_wait3A_43 = tpu.memref_slice %arg4[%add3A, %dma_wait3A_42] : memref<32x512xf32, #tpu.memory_space<hbm>> -> memref<1x512xf32, #tpu.memory_space<hbm>>
      %dma_wait3A_44 = tpu.memref_squeeze %dma_wait3A_43 : memref<1x512xf32, #tpu.memory_space<hbm>> -> memref<512xf32, #tpu.memory_space<hbm>>
      %dma_wait3A_45 = arith.constant 0 : i32
      %dma_wait3A_46 = tpu.memref_slice %arg7[%dma_wait3A_45] : memref<8192xf32, #tpu.memory_space<vmem>> -> memref<512xf32, #tpu.memory_space<vmem>>
      tpu.wait_dma2 semaphore(%run_scoped3A : memref<!tpu.dma_semaphore, #tpu.memory_space<semaphore_mem>>) src(%dma_wait3A_46 : memref<512xf32, #tpu.memory_space<vmem>>) dst(%dma_wait3A_44 : memref<512xf32, #tpu.memory_space<hbm>>)
      tpu.yield
    }) : () -> ()
    return
  }
}

module attributes {stable_mosaic.version = 14 : i64} {
  func.func @_combine_body(%arg0: memref<32x512xf32, #tpu.memory_space<vmem>>, %arg1: memref<32x512xf32, #tpu.memory_space<vmem>>, %arg2: memref<3x128x512xf32, #tpu.memory_space<vmem>>, %arg3: memref<8x128xf32, #tpu.memory_space<vmem>>) attributes {dimension_semantics = [], scalar_prefetch = 0 : i64, scratch_operands = 0 : i64, tpu.core_type = #tpu.core_type<tc>} {
    %get3A = arith.constant 0 : index
    %get3A_0 = arith.constant 0 : index
    %get3A_1 = vector.load %arg0[%get3A, %get3A_0] : memref<32x512xf32, #tpu.memory_space<vmem>>, vector<32x512xf32>
    %reduce_sum3A = arith.constant dense<0.000000e+00> : vector<512xf32>
    %reduce_sum3A_2 = vector.multi_reduction <add>, %get3A_1, %reduce_sum3A [0] : vector<32x512xf32> to vector<512xf32>
    %broadcast_in_dim3A = vector.shape_cast %reduce_sum3A_2 : vector<512xf32> to vector<1x512xf32>
    %get3A_3 = arith.constant 0 : index
    %get3A_4 = arith.constant 0 : index
    %get3A_5 = vector.load %arg1[%get3A_3, %get3A_4] : memref<32x512xf32, #tpu.memory_space<vmem>>, vector<32x512xf32>
    %reduce_sum3A_6 = arith.constant dense<0.000000e+00> : vector<512xf32>
    %reduce_sum3A_7 = vector.multi_reduction <add>, %get3A_5, %reduce_sum3A_6 [0] : vector<32x512xf32> to vector<512xf32>
    %broadcast_in_dim3A_8 = vector.shape_cast %reduce_sum3A_7 : vector<512xf32> to vector<1x512xf32>
    %concatenate3A = tpu.concatenate %broadcast_in_dim3A, %broadcast_in_dim3A_8 in 0 : vector<1x512xf32>, vector<1x512xf32> -> vector<2x512xf32>
    %iota3A = tpu.iota {dimensions = array<i32: 0>} : vector<512x512xi32>
    %iota3A_9 = tpu.iota {dimensions = array<i32: 1>} : vector<512x512xi32>
    %ge3A = arith.cmpi sge, %iota3A, %iota3A_9 : vector<512x512xi32>
    %convert_element_type3A = arith.extui %ge3A : vector<512x512xi1> to vector<512x512xi32>
    %convert_element_type3A_10 = arith.sitofp %convert_element_type3A : vector<512x512xi32> to vector<512x512xf32>
    %dot_general3A = arith.constant dense<0.000000e+00> : vector<2x512xf32>
    %dot_general3A_11 = tpu.matmul %concatenate3A, %convert_element_type3A_10, %dot_general3A {dimension_numbers = #tpu.dot_dimension_numbers<[1], [0], [0], [1], [0, 0, 1, 1], [], []>, transpose_lhs_hint = false} : vector<2x512xf32>, vector<512x512xf32>, vector<2x512xf32> -> vector<2x512xf32>
    %slice3A = vector.extract_strided_slice %dot_general3A_11 {offsets = [0, 0], sizes = [1, 512], strides = [1, 1]} : vector<2x512xf32> to vector<1x512xf32>
    %squeeze3A = vector.shape_cast %slice3A : vector<1x512xf32> to vector<512xf32>
    %slice3A_12 = vector.extract_strided_slice %dot_general3A_11 {offsets = [1, 0], sizes = [1, 512], strides = [1, 1]} : vector<2x512xf32> to vector<1x512xf32>
    %squeeze3A_13 = vector.shape_cast %slice3A_12 : vector<1x512xf32> to vector<512xf32>
    %squeeze3A_14 = vector.shape_cast %broadcast_in_dim3A : vector<1x512xf32> to vector<512xf32>
    %squeeze3A_15 = vector.shape_cast %broadcast_in_dim3A_8 : vector<1x512xf32> to vector<512xf32>
    %sub3A = arith.subf %squeeze3A, %squeeze3A_14 : vector<512xf32>
    %sub3A_16 = arith.subf %squeeze3A_13, %squeeze3A_15 : vector<512xf32>
    %ge3A_17 = arith.constant 4.194300e+05 : f32
    %ge3A_18 = vector.broadcast %ge3A_17 : f32 to vector<512xf32>
    %ge3A_19 = arith.cmpf oge, %squeeze3A, %ge3A_18 : vector<512xf32>
    %lt3A = arith.constant 4.194300e+05 : f32
    %lt3A_20 = vector.broadcast %lt3A : f32 to vector<512xf32>
    %lt3A_21 = arith.cmpf olt, %sub3A, %lt3A_20 : vector<512xf32>
    %and3A = arith.andi %ge3A_19, %lt3A_21 : vector<512xi1>
    %jit3A = arith.constant 0.000000e+00 : f32
    %broadcast_in_dim3A_22 = vector.broadcast %jit3A : f32 to vector<512xf32>
    %select_n3A = arith.select %and3A, %squeeze3A_14, %broadcast_in_dim3A_22 : vector<512xi1>, vector<512xf32>
    %reduce_sum3A_23 = vector.shape_cast %select_n3A : vector<512xf32> to vector<1x512xf32>
    %reduce_sum3A_24 = arith.constant dense<0.000000e+00> : vector<1xf32>
    %reduce_sum3A_25 = vector.multi_reduction <add>, %reduce_sum3A_23, %reduce_sum3A_24 [1] : vector<1x512xf32> to vector<1xf32>
    %reduce_sum3A_26 = vector.shape_cast %reduce_sum3A_25 : vector<1xf32> to vector<1x1xf32>
    %reduce_sum3A_27 = vector.extract %reduce_sum3A_26[0, 0] : f32 from vector<1x1xf32>
    %jit3A_28 = arith.constant 0.000000e+00 : f32
    %broadcast_in_dim3A_29 = vector.broadcast %jit3A_28 : f32 to vector<512xf32>
    %select_n3A_30 = arith.select %and3A, %squeeze3A_15, %broadcast_in_dim3A_29 : vector<512xi1>, vector<512xf32>
    %reduce_sum3A_31 = vector.shape_cast %select_n3A_30 : vector<512xf32> to vector<1x512xf32>
    %reduce_sum3A_32 = arith.constant dense<0.000000e+00> : vector<1xf32>
    %reduce_sum3A_33 = vector.multi_reduction <add>, %reduce_sum3A_31, %reduce_sum3A_32 [1] : vector<1x512xf32> to vector<1xf32>
    %reduce_sum3A_34 = vector.shape_cast %reduce_sum3A_33 : vector<1xf32> to vector<1x1xf32>
    %reduce_sum3A_35 = vector.extract %reduce_sum3A_34[0, 0] : f32 from vector<1x1xf32>
    %jit3A_36 = arith.constant 0.000000e+00 : f32
    %broadcast_in_dim3A_37 = vector.broadcast %jit3A_36 : f32 to vector<512xf32>
    %select_n3A_38 = arith.select %and3A, %sub3A, %broadcast_in_dim3A_37 : vector<512xi1>, vector<512xf32>
    %reduce_sum3A_39 = vector.shape_cast %select_n3A_38 : vector<512xf32> to vector<1x512xf32>
    %reduce_sum3A_40 = arith.constant dense<0.000000e+00> : vector<1xf32>
    %reduce_sum3A_41 = vector.multi_reduction <add>, %reduce_sum3A_39, %reduce_sum3A_40 [1] : vector<1x512xf32> to vector<1xf32>
    %reduce_sum3A_42 = vector.shape_cast %reduce_sum3A_41 : vector<1xf32> to vector<1x1xf32>
    %reduce_sum3A_43 = vector.extract %reduce_sum3A_42[0, 0] : f32 from vector<1x1xf32>
    %sub3A_44 = arith.constant 4.194300e+05 : f32
    %sub3A_45 = arith.subf %sub3A_44, %reduce_sum3A_43 : f32
    %jit3A_46 = arith.constant 0.000000e+00 : f32
    %broadcast_in_dim3A_47 = vector.broadcast %jit3A_46 : f32 to vector<512xf32>
    %select_n3A_48 = arith.select %and3A, %sub3A_16, %broadcast_in_dim3A_47 : vector<512xi1>, vector<512xf32>
    %reduce_sum3A_49 = vector.shape_cast %select_n3A_48 : vector<512xf32> to vector<1x512xf32>
    %reduce_sum3A_50 = arith.constant dense<0.000000e+00> : vector<1xf32>
    %reduce_sum3A_51 = vector.multi_reduction <add>, %reduce_sum3A_49, %reduce_sum3A_50 [1] : vector<1x512xf32> to vector<1xf32>
    %reduce_sum3A_52 = vector.shape_cast %reduce_sum3A_51 : vector<1xf32> to vector<1x1xf32>
    %reduce_sum3A_53 = vector.extract %reduce_sum3A_52[0, 0] : f32 from vector<1x1xf32>
    %iota3A_54 = tpu.iota {dimensions = array<i32: 1>} : vector<1x512xi32>
    %iota3A_55 = vector.shape_cast %iota3A_54 : vector<1x512xi32> to vector<512xi32>
    %convert_element_type3A_56 = arith.sitofp %iota3A_55 : vector<512xi32> to vector<512xf32>
    %jit3A_57 = arith.constant 0.000000e+00 : f32
    %broadcast_in_dim3A_58 = vector.broadcast %jit3A_57 : f32 to vector<512xf32>
    %select_n3A_59 = arith.select %and3A, %convert_element_type3A_56, %broadcast_in_dim3A_58 : vector<512xi1>, vector<512xf32>
    %reduce_sum3A_60 = vector.shape_cast %select_n3A_59 : vector<512xf32> to vector<1x512xf32>
    %reduce_sum3A_61 = arith.constant dense<0.000000e+00> : vector<1xf32>
    %reduce_sum3A_62 = vector.multi_reduction <add>, %reduce_sum3A_60, %reduce_sum3A_61 [1] : vector<1x512xf32> to vector<1xf32>
    %reduce_sum3A_63 = vector.shape_cast %reduce_sum3A_62 : vector<1xf32> to vector<1x1xf32>
    %reduce_sum3A_64 = vector.extract %reduce_sum3A_63[0, 0] : f32 from vector<1x1xf32>
    %max3A = arith.constant 1.000000e+00 : f32
    %max3A_65 = arith.maximumf %reduce_sum3A_27, %max3A : f32
    %div3A = arith.divf %reduce_sum3A_35, %max3A_65 : f32
    %sub3A_66 = arith.subf %reduce_sum3A_27, %sub3A_45 : f32
    %mul3A = arith.constant 3.125000e-02 : f32
    %mul3A_67 = arith.mulf %mul3A, %sub3A_66 : f32
    %mul3A_68 = arith.constant 2.000000e+00 : f32
    %mul3A_69 = arith.mulf %mul3A_68, %max3A_65 : f32
    %div3A_70 = arith.divf %mul3A_67, %mul3A_69 : f32
    %add3A = arith.addf %div3A, %div3A_70 : f32
    %mul3A_71 = arith.constant 3.125000e-02 : f32
    %mul3A_72 = arith.mulf %reduce_sum3A_64, %mul3A_71 : f32
    %add3A_73 = arith.constant 0.000000e+00 : f32
    %add3A_74 = arith.addf %add3A_73, %mul3A_72 : f32
    %add3A_75 = arith.constant 3.125000e-02 : f32
    %add3A_76 = arith.addf %add3A_74, %add3A_75 : f32
    %max3A_77 = arith.maximumf %add3A_74, %add3A : f32
    %min3A = arith.minimumf %add3A_76, %max3A_77 : f32
    %mul3A_78 = arith.mulf %sub3A_45, %min3A : f32
    %add3A_79 = arith.addf %reduce_sum3A_53, %mul3A_78 : f32
    %div3A_80 = arith.constant 4.194300e+05 : f32
    %div3A_81 = arith.divf %add3A_79, %div3A_80 : f32
    %get3A_82 = arith.constant 0 : index
    %get3A_83 = arith.constant 0 : index
    %get3A_84 = arith.constant 0 : index
    %get3A_85 = vector.load %arg2[%get3A_82, %get3A_83, %get3A_84] : memref<3x128x512xf32, #tpu.memory_space<vmem>>, vector<1x128x512xf32>
    %get3A_86 = vector.shape_cast %get3A_85 : vector<1x128x512xf32> to vector<128x512xf32>
    %reduce_sum3A_87 = vector.shape_cast %get3A_86 : vector<128x512xf32> to vector<1x128x512xf32>
    %reduce_sum3A_88 = arith.constant dense<0.000000e+00> : vector<1xf32>
    %reduce_sum3A_89 = vector.multi_reduction <add>, %reduce_sum3A_87, %reduce_sum3A_88 [1, 2] : vector<1x128x512xf32> to vector<1xf32>
    %reduce_sum3A_90 = vector.shape_cast %reduce_sum3A_89 : vector<1xf32> to vector<1x1x1xf32>
    %reduce_sum3A_91 = vector.extract %reduce_sum3A_90[0, 0, 0] : f32 from vector<1x1x1xf32>
    %div3A_92 = arith.constant 0x4A000000 : f32
    %div3A_93 = arith.divf %reduce_sum3A_91, %div3A_92 : f32
    %get3A_94 = arith.constant 1 : index
    %get3A_95 = arith.constant 0 : index
    %get3A_96 = arith.constant 0 : index
    %get3A_97 = vector.load %arg2[%get3A_94, %get3A_95, %get3A_96] : memref<3x128x512xf32, #tpu.memory_space<vmem>>, vector<1x128x512xf32>
    %get3A_98 = vector.shape_cast %get3A_97 : vector<1x128x512xf32> to vector<128x512xf32>
    %reduce_sum3A_99 = vector.shape_cast %get3A_98 : vector<128x512xf32> to vector<1x128x512xf32>
    %reduce_sum3A_100 = arith.constant dense<0.000000e+00> : vector<1xf32>
    %reduce_sum3A_101 = vector.multi_reduction <add>, %reduce_sum3A_99, %reduce_sum3A_100 [1, 2] : vector<1x128x512xf32> to vector<1xf32>
    %reduce_sum3A_102 = vector.shape_cast %reduce_sum3A_101 : vector<1xf32> to vector<1x1x1xf32>
    %reduce_sum3A_103 = vector.extract %reduce_sum3A_102[0, 0, 0] : f32 from vector<1x1x1xf32>
    %get3A_104 = arith.constant 2 : index
    %get3A_105 = arith.constant 0 : index
    %get3A_106 = arith.constant 0 : index
    %get3A_107 = vector.load %arg2[%get3A_104, %get3A_105, %get3A_106] : memref<3x128x512xf32, #tpu.memory_space<vmem>>, vector<1x128x512xf32>
    %get3A_108 = vector.shape_cast %get3A_107 : vector<1x128x512xf32> to vector<128x512xf32>
    %reduce_sum3A_109 = vector.shape_cast %get3A_108 : vector<128x512xf32> to vector<1x128x512xf32>
    %reduce_sum3A_110 = arith.constant dense<0.000000e+00> : vector<1xf32>
    %reduce_sum3A_111 = vector.multi_reduction <add>, %reduce_sum3A_109, %reduce_sum3A_110 [1, 2] : vector<1x128x512xf32> to vector<1xf32>
    %reduce_sum3A_112 = vector.shape_cast %reduce_sum3A_111 : vector<1xf32> to vector<1x1x1xf32>
    %reduce_sum3A_113 = vector.extract %reduce_sum3A_112[0, 0, 0] : f32 from vector<1x1x1xf32>
    %eq3A = arith.constant 0.000000e+00 : f32
    %eq3A_114 = arith.cmpf oeq, %reduce_sum3A_113, %eq3A : f32
    %max3A_115 = arith.constant 1.000000e+00 : f32
    %max3A_116 = arith.maximumf %reduce_sum3A_113, %max3A_115 : f32
    %div3A_117 = arith.divf %reduce_sum3A_103, %max3A_116 : f32
    %jit3A_118 = arith.constant 0.000000e+00 : f32
    %select_n3A_119 = arith.select %eq3A_114, %jit3A_118, %div3A_117 : f32
    %mul3A_120 = arith.constant 1.000000e+00 : f32
    %mul3A_121 = arith.mulf %mul3A_120, %div3A_81 : f32
    %mul3A_122 = arith.constant 2.000000e+02 : f32
    %mul3A_123 = arith.mulf %mul3A_122, %div3A_93 : f32
    %add3A_124 = arith.addf %mul3A_121, %mul3A_123 : f32
    %mul3A_125 = arith.constant 0.00999999977 : f32
    %mul3A_126 = arith.mulf %mul3A_125, %select_n3A_119 : f32
    %add3A_127 = arith.addf %add3A_124, %mul3A_126 : f32
    %iota3A_128 = tpu.iota {dimensions = array<i32: 0>} : vector<8x128xi32>
    %eq3A_129 = arith.constant 0 : i32
    %eq3A_130 = vector.broadcast %eq3A_129 : i32 to vector<8x128xi32>
    %eq3A_131 = arith.cmpi eq, %iota3A_128, %eq3A_130 : vector<8x128xi32>
    %eq3A_132 = arith.constant 1 : i32
    %eq3A_133 = vector.broadcast %eq3A_132 : i32 to vector<8x128xi32>
    %eq3A_134 = arith.cmpi eq, %iota3A_128, %eq3A_133 : vector<8x128xi32>
    %eq3A_135 = arith.constant 2 : i32
    %eq3A_136 = vector.broadcast %eq3A_135 : i32 to vector<8x128xi32>
    %eq3A_137 = arith.cmpi eq, %iota3A_128, %eq3A_136 : vector<8x128xi32>
    %broadcast_in_dim3A_138 = vector.broadcast %div3A_93 : f32 to vector<8x128xf32>
    %broadcast_in_dim3A_139 = vector.broadcast %select_n3A_119 : f32 to vector<8x128xf32>
    %select_n3A_140 = arith.select %eq3A_137, %broadcast_in_dim3A_138, %broadcast_in_dim3A_139 : vector<8x128xi1>, vector<8x128xf32>
    %broadcast_in_dim3A_141 = vector.broadcast %div3A_81 : f32 to vector<8x128xf32>
    %select_n3A_142 = arith.select %eq3A_134, %broadcast_in_dim3A_141, %select_n3A_140 : vector<8x128xi1>, vector<8x128xf32>
    %broadcast_in_dim3A_143 = vector.broadcast %add3A_127 : f32 to vector<8x128xf32>
    %select_n3A_144 = arith.select %eq3A_131, %broadcast_in_dim3A_143, %select_n3A_142 : vector<8x128xi1>, vector<8x128xf32>
    %swap3A = arith.constant 0 : index
    %swap3A_145 = arith.constant 0 : index
    %swap3A_146 = vector.load %arg3[%swap3A, %swap3A_145] : memref<8x128xf32, #tpu.memory_space<vmem>>, vector<8x128xf32>
    tpu.vector_store %arg3[%swap3A, %swap3A_145], %select_n3A_144 {strides = array<i32>} : memref<8x128xf32, #tpu.memory_space<vmem>>, vector<8x128xf32>,
    return
  }
}

module attributes {stable_mosaic.version = 14 : i64} {
  func.func @_dense_body(%arg0: i32, %arg1: i32, %arg2: memref<1x1x128x512xf32, #tpu.memory_space<vmem>>, %arg3: memref<1x1x128x512xf32, #tpu.memory_space<vmem>>, %arg4: memref<1x21x128x512xf32, #tpu.memory_space<vmem>>, %arg5: memref<1x2x128x512xf32, #tpu.memory_space<vmem>>, %arg6: memref<1x2x128x512xf32, #tpu.memory_space<vmem>>, %arg7: memref<1x128x512xi32, #tpu.memory_space<vmem>>, %arg8: memref<1x128x512xf32, #tpu.memory_space<vmem>>, %arg9: memref<3x128x512xf32, #tpu.memory_space<vmem>>, %arg10: memref<3x128x512xf32, #tpu.memory_space<vmem>>) attributes {dimension_semantics = [#tpu.dimension_semantics<arbitrary>, #tpu.dimension_semantics<arbitrary>], iteration_bounds = array<i64: 8, 4>, scalar_prefetch = 0 : i64, scratch_operands = 1 : i64, tpu.core_type = #tpu.core_type<tc>, window_params = [{transform_indices = @transform_0, window_bounds = array<i64: 1, 1, 128, 512>}, {transform_indices = @transform_1, window_bounds = array<i64: 1, 1, 128, 512>}, {transform_indices = @transform_2, window_bounds = array<i64: 1, 21, 128, 512>}, {transform_indices = @transform_3, window_bounds = array<i64: 1, 2, 128, 512>}, {transform_indices = @transform_4, window_bounds = array<i64: 1, 2, 128, 512>}, {transform_indices = @transform_5, window_bounds = array<i64: 1, 128, 512>}, {transform_indices = @transform_6, window_bounds = array<i64: 1, 128, 512>}, {pipeline_mode = #tpu.pipeline_mode<synchronous>, transform_indices = @transform_7, window_bounds = array<i64: 3, 128, 512>}]} {
    %eq3A = arith.constant 0 : i32
    %eq3A_0 = arith.cmpi eq, %arg0, %eq3A : i32
    %eq3A_1 = arith.constant 0 : i32
    %eq3A_2 = arith.cmpi eq, %arg1, %eq3A_1 : i32
    %and3A = arith.andi %eq3A_0, %eq3A_2 : i1
    %convert_element_type3A = arith.extui %and3A : i1 to i32
    %cond3A = arith.constant 0 : i32
    %cond3A_3 = arith.cmpi ne, %convert_element_type3A, %cond3A : i32
    scf.if %cond3A_3 {
      %broadcast_in_dim3A = arith.constant 0.000000e+00 : f32
      %broadcast_in_dim3A_373 = vector.broadcast %broadcast_in_dim3A : f32 to vector<3x128x512xf32>
      %swap3A_374 = arith.constant 0 : index
      %swap3A_375 = arith.constant 0 : index
      %swap3A_376 = arith.constant 0 : index
      %swap3A_377 = vector.load %arg10[%swap3A_374, %swap3A_375, %swap3A_376] : memref<3x128x512xf32, #tpu.memory_space<vmem>>, vector<3x128x512xf32>
      tpu.vector_store %arg10[%swap3A_374, %swap3A_375, %swap3A_376], %broadcast_in_dim3A_373 {strides = array<i32>} : memref<3x128x512xf32, #tpu.memory_space<vmem>>, vector<3x128x512xf32>,
    } else {
    }
    %get3A = arith.constant 0 : index
    %get3A_4 = arith.constant 0 : index
    %get3A_5 = arith.constant 0 : index
    %get3A_6 = arith.constant 0 : index
    %get3A_7 = vector.load %arg4[%get3A, %get3A_4, %get3A_5, %get3A_6] : memref<1x21x128x512xf32, #tpu.memory_space<vmem>>, vector<1x21x128x512xf32>
    %get3A_8 = vector.shape_cast %get3A_7 : vector<1x21x128x512xf32> to vector<21x128x512xf32>
    %convert_element_type3A_9 = arith.truncf %get3A_8 : vector<21x128x512xf32> to vector<21x128x512xbf16>
    %slice3A = vector.extract_strided_slice %convert_element_type3A_9 {offsets = [0, 0, 0], sizes = [1, 128, 512], strides = [1, 1, 1]} : vector<21x128x512xbf16> to vector<1x128x512xbf16>
    %squeeze3A = vector.shape_cast %slice3A : vector<1x128x512xbf16> to vector<128x512xbf16>
    %slice3A_10 = vector.extract_strided_slice %convert_element_type3A_9 {offsets = [1, 0, 0], sizes = [1, 128, 512], strides = [1, 1, 1]} : vector<21x128x512xbf16> to vector<1x128x512xbf16>
    %squeeze3A_11 = vector.shape_cast %slice3A_10 : vector<1x128x512xbf16> to vector<128x512xbf16>
    %max3A = arith.maximumf %squeeze3A, %squeeze3A_11 : vector<128x512xbf16>
    %slice3A_12 = vector.extract_strided_slice %convert_element_type3A_9 {offsets = [2, 0, 0], sizes = [1, 128, 512], strides = [1, 1, 1]} : vector<21x128x512xbf16> to vector<1x128x512xbf16>
    %squeeze3A_13 = vector.shape_cast %slice3A_12 : vector<1x128x512xbf16> to vector<128x512xbf16>
    %max3A_14 = arith.maximumf %max3A, %squeeze3A_13 : vector<128x512xbf16>
    %slice3A_15 = vector.extract_strided_slice %convert_element_type3A_9 {offsets = [3, 0, 0], sizes = [1, 128, 512], strides = [1, 1, 1]} : vector<21x128x512xbf16> to vector<1x128x512xbf16>
    %squeeze3A_16 = vector.shape_cast %slice3A_15 : vector<1x128x512xbf16> to vector<128x512xbf16>
    %max3A_17 = arith.maximumf %max3A_14, %squeeze3A_16 : vector<128x512xbf16>
    %slice3A_18 = vector.extract_strided_slice %convert_element_type3A_9 {offsets = [4, 0, 0], sizes = [1, 128, 512], strides = [1, 1, 1]} : vector<21x128x512xbf16> to vector<1x128x512xbf16>
    %squeeze3A_19 = vector.shape_cast %slice3A_18 : vector<1x128x512xbf16> to vector<128x512xbf16>
    %max3A_20 = arith.maximumf %max3A_17, %squeeze3A_19 : vector<128x512xbf16>
    %slice3A_21 = vector.extract_strided_slice %convert_element_type3A_9 {offsets = [5, 0, 0], sizes = [1, 128, 512], strides = [1, 1, 1]} : vector<21x128x512xbf16> to vector<1x128x512xbf16>
    %squeeze3A_22 = vector.shape_cast %slice3A_21 : vector<1x128x512xbf16> to vector<128x512xbf16>
    %max3A_23 = arith.maximumf %max3A_20, %squeeze3A_22 : vector<128x512xbf16>
    %slice3A_24 = vector.extract_strided_slice %convert_element_type3A_9 {offsets = [6, 0, 0], sizes = [1, 128, 512], strides = [1, 1, 1]} : vector<21x128x512xbf16> to vector<1x128x512xbf16>
    %squeeze3A_25 = vector.shape_cast %slice3A_24 : vector<1x128x512xbf16> to vector<128x512xbf16>
    %max3A_26 = arith.maximumf %max3A_23, %squeeze3A_25 : vector<128x512xbf16>
    %slice3A_27 = vector.extract_strided_slice %convert_element_type3A_9 {offsets = [7, 0, 0], sizes = [1, 128, 512], strides = [1, 1, 1]} : vector<21x128x512xbf16> to vector<1x128x512xbf16>
    %squeeze3A_28 = vector.shape_cast %slice3A_27 : vector<1x128x512xbf16> to vector<128x512xbf16>
    %max3A_29 = arith.maximumf %max3A_26, %squeeze3A_28 : vector<128x512xbf16>
    %slice3A_30 = vector.extract_strided_slice %convert_element_type3A_9 {offsets = [8, 0, 0], sizes = [1, 128, 512], strides = [1, 1, 1]} : vector<21x128x512xbf16> to vector<1x128x512xbf16>
    %squeeze3A_31 = vector.shape_cast %slice3A_30 : vector<1x128x512xbf16> to vector<128x512xbf16>
    %max3A_32 = arith.maximumf %max3A_29, %squeeze3A_31 : vector<128x512xbf16>
    %slice3A_33 = vector.extract_strided_slice %convert_element_type3A_9 {offsets = [9, 0, 0], sizes = [1, 128, 512], strides = [1, 1, 1]} : vector<21x128x512xbf16> to vector<1x128x512xbf16>
    %squeeze3A_34 = vector.shape_cast %slice3A_33 : vector<1x128x512xbf16> to vector<128x512xbf16>
    %max3A_35 = arith.maximumf %max3A_32, %squeeze3A_34 : vector<128x512xbf16>
    %slice3A_36 = vector.extract_strided_slice %convert_element_type3A_9 {offsets = [10, 0, 0], sizes = [1, 128, 512], strides = [1, 1, 1]} : vector<21x128x512xbf16> to vector<1x128x512xbf16>
    %squeeze3A_37 = vector.shape_cast %slice3A_36 : vector<1x128x512xbf16> to vector<128x512xbf16>
    %max3A_38 = arith.maximumf %max3A_35, %squeeze3A_37 : vector<128x512xbf16>
    %slice3A_39 = vector.extract_strided_slice %convert_element_type3A_9 {offsets = [11, 0, 0], sizes = [1, 128, 512], strides = [1, 1, 1]} : vector<21x128x512xbf16> to vector<1x128x512xbf16>
    %squeeze3A_40 = vector.shape_cast %slice3A_39 : vector<1x128x512xbf16> to vector<128x512xbf16>
    %max3A_41 = arith.maximumf %max3A_38, %squeeze3A_40 : vector<128x512xbf16>
    %slice3A_42 = vector.extract_strided_slice %convert_element_type3A_9 {offsets = [12, 0, 0], sizes = [1, 128, 512], strides = [1, 1, 1]} : vector<21x128x512xbf16> to vector<1x128x512xbf16>
    %squeeze3A_43 = vector.shape_cast %slice3A_42 : vector<1x128x512xbf16> to vector<128x512xbf16>
    %max3A_44 = arith.maximumf %max3A_41, %squeeze3A_43 : vector<128x512xbf16>
    %slice3A_45 = vector.extract_strided_slice %convert_element_type3A_9 {offsets = [13, 0, 0], sizes = [1, 128, 512], strides = [1, 1, 1]} : vector<21x128x512xbf16> to vector<1x128x512xbf16>
    %squeeze3A_46 = vector.shape_cast %slice3A_45 : vector<1x128x512xbf16> to vector<128x512xbf16>
    %max3A_47 = arith.maximumf %max3A_44, %squeeze3A_46 : vector<128x512xbf16>
    %slice3A_48 = vector.extract_strided_slice %convert_element_type3A_9 {offsets = [14, 0, 0], sizes = [1, 128, 512], strides = [1, 1, 1]} : vector<21x128x512xbf16> to vector<1x128x512xbf16>
    %squeeze3A_49 = vector.shape_cast %slice3A_48 : vector<1x128x512xbf16> to vector<128x512xbf16>
    %max3A_50 = arith.maximumf %max3A_47, %squeeze3A_49 : vector<128x512xbf16>
    %slice3A_51 = vector.extract_strided_slice %convert_element_type3A_9 {offsets = [15, 0, 0], sizes = [1, 128, 512], strides = [1, 1, 1]} : vector<21x128x512xbf16> to vector<1x128x512xbf16>
    %squeeze3A_52 = vector.shape_cast %slice3A_51 : vector<1x128x512xbf16> to vector<128x512xbf16>
    %max3A_53 = arith.maximumf %max3A_50, %squeeze3A_52 : vector<128x512xbf16>
    %slice3A_54 = vector.extract_strided_slice %convert_element_type3A_9 {offsets = [16, 0, 0], sizes = [1, 128, 512], strides = [1, 1, 1]} : vector<21x128x512xbf16> to vector<1x128x512xbf16>
    %squeeze3A_55 = vector.shape_cast %slice3A_54 : vector<1x128x512xbf16> to vector<128x512xbf16>
    %max3A_56 = arith.maximumf %max3A_53, %squeeze3A_55 : vector<128x512xbf16>
    %slice3A_57 = vector.extract_strided_slice %convert_element_type3A_9 {offsets = [17, 0, 0], sizes = [1, 128, 512], strides = [1, 1, 1]} : vector<21x128x512xbf16> to vector<1x128x512xbf16>
    %squeeze3A_58 = vector.shape_cast %slice3A_57 : vector<1x128x512xbf16> to vector<128x512xbf16>
    %max3A_59 = arith.maximumf %max3A_56, %squeeze3A_58 : vector<128x512xbf16>
    %slice3A_60 = vector.extract_strided_slice %convert_element_type3A_9 {offsets = [18, 0, 0], sizes = [1, 128, 512], strides = [1, 1, 1]} : vector<21x128x512xbf16> to vector<1x128x512xbf16>
    %squeeze3A_61 = vector.shape_cast %slice3A_60 : vector<1x128x512xbf16> to vector<128x512xbf16>
    %max3A_62 = arith.maximumf %max3A_59, %squeeze3A_61 : vector<128x512xbf16>
    %slice3A_63 = vector.extract_strided_slice %convert_element_type3A_9 {offsets = [19, 0, 0], sizes = [1, 128, 512], strides = [1, 1, 1]} : vector<21x128x512xbf16> to vector<1x128x512xbf16>
    %squeeze3A_64 = vector.shape_cast %slice3A_63 : vector<1x128x512xbf16> to vector<128x512xbf16>
    %max3A_65 = arith.maximumf %max3A_62, %squeeze3A_64 : vector<128x512xbf16>
    %slice3A_66 = vector.extract_strided_slice %convert_element_type3A_9 {offsets = [20, 0, 0], sizes = [1, 128, 512], strides = [1, 1, 1]} : vector<21x128x512xbf16> to vector<1x128x512xbf16>
    %squeeze3A_67 = vector.shape_cast %slice3A_66 : vector<1x128x512xbf16> to vector<128x512xbf16>
    %max3A_68 = arith.maximumf %max3A_65, %squeeze3A_67 : vector<128x512xbf16>
    %get3A_69 = arith.constant 0 : index
    %get3A_70 = arith.constant 0 : index
    %get3A_71 = arith.constant 0 : index
    %get3A_72 = vector.load %arg7[%get3A_69, %get3A_70, %get3A_71] : memref<1x128x512xi32, #tpu.memory_space<vmem>>, vector<1x128x512xi32>
    %get3A_73 = vector.shape_cast %get3A_72 : vector<1x128x512xi32> to vector<128x512xi32>
    %convert_element_type3A_74 = arith.trunci %get3A_73 : vector<128x512xi32> to vector<128x512xi16>
    %slice3A_75 = vector.extract_strided_slice %convert_element_type3A_9 {offsets = [0, 0, 0], sizes = [1, 128, 512], strides = [1, 1, 1]} : vector<21x128x512xbf16> to vector<1x128x512xbf16>
    %squeeze3A_76 = vector.shape_cast %slice3A_75 : vector<1x128x512xbf16> to vector<128x512xbf16>
    %sub3A = arith.subf %squeeze3A_76, %max3A_68 : vector<128x512xbf16>
    %convert_element_type3A_77 = arith.extf %sub3A : vector<128x512xbf16> to vector<128x512xf32>
    %exp3A = math.exp %convert_element_type3A_77 : vector<128x512xf32>
    %slice3A_78 = vector.extract_strided_slice %convert_element_type3A_9 {offsets = [1, 0, 0], sizes = [1, 128, 512], strides = [1, 1, 1]} : vector<21x128x512xbf16> to vector<1x128x512xbf16>
    %squeeze3A_79 = vector.shape_cast %slice3A_78 : vector<1x128x512xbf16> to vector<128x512xbf16>
    %sub3A_80 = arith.subf %squeeze3A_79, %max3A_68 : vector<128x512xbf16>
    %convert_element_type3A_81 = arith.extf %sub3A_80 : vector<128x512xbf16> to vector<128x512xf32>
    %exp3A_82 = math.exp %convert_element_type3A_81 : vector<128x512xf32>
    %add3A = arith.addf %exp3A, %exp3A_82 : vector<128x512xf32>
    %eq3A_83 = arith.constant 1 : i16
    %eq3A_84 = vector.broadcast %eq3A_83 : i16 to vector<128x512xi16>
    %eq3A_85 = arith.cmpi eq, %convert_element_type3A_74, %eq3A_84 : vector<128x512xi16>
    %select_n3A = arith.select %eq3A_85, %sub3A_80, %sub3A : vector<128x512xi1>, vector<128x512xbf16>
    %slice3A_86 = vector.extract_strided_slice %convert_element_type3A_9 {offsets = [2, 0, 0], sizes = [1, 128, 512], strides = [1, 1, 1]} : vector<21x128x512xbf16> to vector<1x128x512xbf16>
    %squeeze3A_87 = vector.shape_cast %slice3A_86 : vector<1x128x512xbf16> to vector<128x512xbf16>
    %sub3A_88 = arith.subf %squeeze3A_87, %max3A_68 : vector<128x512xbf16>
    %convert_element_type3A_89 = arith.extf %sub3A_88 : vector<128x512xbf16> to vector<128x512xf32>
    %exp3A_90 = math.exp %convert_element_type3A_89 : vector<128x512xf32>
    %add3A_91 = arith.addf %add3A, %exp3A_90 : vector<128x512xf32>
    %eq3A_92 = arith.constant 2 : i16
    %eq3A_93 = vector.broadcast %eq3A_92 : i16 to vector<128x512xi16>
    %eq3A_94 = arith.cmpi eq, %convert_element_type3A_74, %eq3A_93 : vector<128x512xi16>
    %select_n3A_95 = arith.select %eq3A_94, %sub3A_88, %select_n3A : vector<128x512xi1>, vector<128x512xbf16>
    %slice3A_96 = vector.extract_strided_slice %convert_element_type3A_9 {offsets = [3, 0, 0], sizes = [1, 128, 512], strides = [1, 1, 1]} : vector<21x128x512xbf16> to vector<1x128x512xbf16>
    %squeeze3A_97 = vector.shape_cast %slice3A_96 : vector<1x128x512xbf16> to vector<128x512xbf16>
    %sub3A_98 = arith.subf %squeeze3A_97, %max3A_68 : vector<128x512xbf16>
    %convert_element_type3A_99 = arith.extf %sub3A_98 : vector<128x512xbf16> to vector<128x512xf32>
    %exp3A_100 = math.exp %convert_element_type3A_99 : vector<128x512xf32>
    %add3A_101 = arith.addf %add3A_91, %exp3A_100 : vector<128x512xf32>
    %eq3A_102 = arith.constant 3 : i16
    %eq3A_103 = vector.broadcast %eq3A_102 : i16 to vector<128x512xi16>
    %eq3A_104 = arith.cmpi eq, %convert_element_type3A_74, %eq3A_103 : vector<128x512xi16>
    %select_n3A_105 = arith.select %eq3A_104, %sub3A_98, %select_n3A_95 : vector<128x512xi1>, vector<128x512xbf16>
    %slice3A_106 = vector.extract_strided_slice %convert_element_type3A_9 {offsets = [4, 0, 0], sizes = [1, 128, 512], strides = [1, 1, 1]} : vector<21x128x512xbf16> to vector<1x128x512xbf16>
    %squeeze3A_107 = vector.shape_cast %slice3A_106 : vector<1x128x512xbf16> to vector<128x512xbf16>
    %sub3A_108 = arith.subf %squeeze3A_107, %max3A_68 : vector<128x512xbf16>
    %convert_element_type3A_109 = arith.extf %sub3A_108 : vector<128x512xbf16> to vector<128x512xf32>
    %exp3A_110 = math.exp %convert_element_type3A_109 : vector<128x512xf32>
    %add3A_111 = arith.addf %add3A_101, %exp3A_110 : vector<128x512xf32>
    %eq3A_112 = arith.constant 4 : i16
    %eq3A_113 = vector.broadcast %eq3A_112 : i16 to vector<128x512xi16>
    %eq3A_114 = arith.cmpi eq, %convert_element_type3A_74, %eq3A_113 : vector<128x512xi16>
    %select_n3A_115 = arith.select %eq3A_114, %sub3A_108, %select_n3A_105 : vector<128x512xi1>, vector<128x512xbf16>
    %slice3A_116 = vector.extract_strided_slice %convert_element_type3A_9 {offsets = [5, 0, 0], sizes = [1, 128, 512], strides = [1, 1, 1]} : vector<21x128x512xbf16> to vector<1x128x512xbf16>
    %squeeze3A_117 = vector.shape_cast %slice3A_116 : vector<1x128x512xbf16> to vector<128x512xbf16>
    %sub3A_118 = arith.subf %squeeze3A_117, %max3A_68 : vector<128x512xbf16>
    %convert_element_type3A_119 = arith.extf %sub3A_118 : vector<128x512xbf16> to vector<128x512xf32>
    %exp3A_120 = math.exp %convert_element_type3A_119 : vector<128x512xf32>
    %add3A_121 = arith.addf %add3A_111, %exp3A_120 : vector<128x512xf32>
    %eq3A_122 = arith.constant 5 : i16
    %eq3A_123 = vector.broadcast %eq3A_122 : i16 to vector<128x512xi16>
    %eq3A_124 = arith.cmpi eq, %convert_element_type3A_74, %eq3A_123 : vector<128x512xi16>
    %select_n3A_125 = arith.select %eq3A_124, %sub3A_118, %select_n3A_115 : vector<128x512xi1>, vector<128x512xbf16>
    %slice3A_126 = vector.extract_strided_slice %convert_element_type3A_9 {offsets = [6, 0, 0], sizes = [1, 128, 512], strides = [1, 1, 1]} : vector<21x128x512xbf16> to vector<1x128x512xbf16>
    %squeeze3A_127 = vector.shape_cast %slice3A_126 : vector<1x128x512xbf16> to vector<128x512xbf16>
    %sub3A_128 = arith.subf %squeeze3A_127, %max3A_68 : vector<128x512xbf16>
    %convert_element_type3A_129 = arith.extf %sub3A_128 : vector<128x512xbf16> to vector<128x512xf32>
    %exp3A_130 = math.exp %convert_element_type3A_129 : vector<128x512xf32>
    %add3A_131 = arith.addf %add3A_121, %exp3A_130 : vector<128x512xf32>
    %eq3A_132 = arith.constant 6 : i16
    %eq3A_133 = vector.broadcast %eq3A_132 : i16 to vector<128x512xi16>
    %eq3A_134 = arith.cmpi eq, %convert_element_type3A_74, %eq3A_133 : vector<128x512xi16>
    %select_n3A_135 = arith.select %eq3A_134, %sub3A_128, %select_n3A_125 : vector<128x512xi1>, vector<128x512xbf16>
    %slice3A_136 = vector.extract_strided_slice %convert_element_type3A_9 {offsets = [7, 0, 0], sizes = [1, 128, 512], strides = [1, 1, 1]} : vector<21x128x512xbf16> to vector<1x128x512xbf16>
    %squeeze3A_137 = vector.shape_cast %slice3A_136 : vector<1x128x512xbf16> to vector<128x512xbf16>
    %sub3A_138 = arith.subf %squeeze3A_137, %max3A_68 : vector<128x512xbf16>
    %convert_element_type3A_139 = arith.extf %sub3A_138 : vector<128x512xbf16> to vector<128x512xf32>
    %exp3A_140 = math.exp %convert_element_type3A_139 : vector<128x512xf32>
    %add3A_141 = arith.addf %add3A_131, %exp3A_140 : vector<128x512xf32>
    %eq3A_142 = arith.constant 7 : i16
    %eq3A_143 = vector.broadcast %eq3A_142 : i16 to vector<128x512xi16>
    %eq3A_144 = arith.cmpi eq, %convert_element_type3A_74, %eq3A_143 : vector<128x512xi16>
    %select_n3A_145 = arith.select %eq3A_144, %sub3A_138, %select_n3A_135 : vector<128x512xi1>, vector<128x512xbf16>
    %slice3A_146 = vector.extract_strided_slice %convert_element_type3A_9 {offsets = [8, 0, 0], sizes = [1, 128, 512], strides = [1, 1, 1]} : vector<21x128x512xbf16> to vector<1x128x512xbf16>
    %squeeze3A_147 = vector.shape_cast %slice3A_146 : vector<1x128x512xbf16> to vector<128x512xbf16>
    %sub3A_148 = arith.subf %squeeze3A_147, %max3A_68 : vector<128x512xbf16>
    %convert_element_type3A_149 = arith.extf %sub3A_148 : vector<128x512xbf16> to vector<128x512xf32>
    %exp3A_150 = math.exp %convert_element_type3A_149 : vector<128x512xf32>
    %add3A_151 = arith.addf %add3A_141, %exp3A_150 : vector<128x512xf32>
    %eq3A_152 = arith.constant 8 : i16
    %eq3A_153 = vector.broadcast %eq3A_152 : i16 to vector<128x512xi16>
    %eq3A_154 = arith.cmpi eq, %convert_element_type3A_74, %eq3A_153 : vector<128x512xi16>
    %select_n3A_155 = arith.select %eq3A_154, %sub3A_148, %select_n3A_145 : vector<128x512xi1>, vector<128x512xbf16>
    %slice3A_156 = vector.extract_strided_slice %convert_element_type3A_9 {offsets = [9, 0, 0], sizes = [1, 128, 512], strides = [1, 1, 1]} : vector<21x128x512xbf16> to vector<1x128x512xbf16>
    %squeeze3A_157 = vector.shape_cast %slice3A_156 : vector<1x128x512xbf16> to vector<128x512xbf16>
    %sub3A_158 = arith.subf %squeeze3A_157, %max3A_68 : vector<128x512xbf16>
    %convert_element_type3A_159 = arith.extf %sub3A_158 : vector<128x512xbf16> to vector<128x512xf32>
    %exp3A_160 = math.exp %convert_element_type3A_159 : vector<128x512xf32>
    %add3A_161 = arith.addf %add3A_151, %exp3A_160 : vector<128x512xf32>
    %eq3A_162 = arith.constant 9 : i16
    %eq3A_163 = vector.broadcast %eq3A_162 : i16 to vector<128x512xi16>
    %eq3A_164 = arith.cmpi eq, %convert_element_type3A_74, %eq3A_163 : vector<128x512xi16>
    %select_n3A_165 = arith.select %eq3A_164, %sub3A_158, %select_n3A_155 : vector<128x512xi1>, vector<128x512xbf16>
    %slice3A_166 = vector.extract_strided_slice %convert_element_type3A_9 {offsets = [10, 0, 0], sizes = [1, 128, 512], strides = [1, 1, 1]} : vector<21x128x512xbf16> to vector<1x128x512xbf16>
    %squeeze3A_167 = vector.shape_cast %slice3A_166 : vector<1x128x512xbf16> to vector<128x512xbf16>
    %sub3A_168 = arith.subf %squeeze3A_167, %max3A_68 : vector<128x512xbf16>
    %convert_element_type3A_169 = arith.extf %sub3A_168 : vector<128x512xbf16> to vector<128x512xf32>
    %exp3A_170 = math.exp %convert_element_type3A_169 : vector<128x512xf32>
    %add3A_171 = arith.addf %add3A_161, %exp3A_170 : vector<128x512xf32>
    %eq3A_172 = arith.constant 10 : i16
    %eq3A_173 = vector.broadcast %eq3A_172 : i16 to vector<128x512xi16>
    %eq3A_174 = arith.cmpi eq, %convert_element_type3A_74, %eq3A_173 : vector<128x512xi16>
    %select_n3A_175 = arith.select %eq3A_174, %sub3A_168, %select_n3A_165 : vector<128x512xi1>, vector<128x512xbf16>
    %slice3A_176 = vector.extract_strided_slice %convert_element_type3A_9 {offsets = [11, 0, 0], sizes = [1, 128, 512], strides = [1, 1, 1]} : vector<21x128x512xbf16> to vector<1x128x512xbf16>
    %squeeze3A_177 = vector.shape_cast %slice3A_176 : vector<1x128x512xbf16> to vector<128x512xbf16>
    %sub3A_178 = arith.subf %squeeze3A_177, %max3A_68 : vector<128x512xbf16>
    %convert_element_type3A_179 = arith.extf %sub3A_178 : vector<128x512xbf16> to vector<128x512xf32>
    %exp3A_180 = math.exp %convert_element_type3A_179 : vector<128x512xf32>
    %add3A_181 = arith.addf %add3A_171, %exp3A_180 : vector<128x512xf32>
    %eq3A_182 = arith.constant 11 : i16
    %eq3A_183 = vector.broadcast %eq3A_182 : i16 to vector<128x512xi16>
    %eq3A_184 = arith.cmpi eq, %convert_element_type3A_74, %eq3A_183 : vector<128x512xi16>
    %select_n3A_185 = arith.select %eq3A_184, %sub3A_178, %select_n3A_175 : vector<128x512xi1>, vector<128x512xbf16>
    %slice3A_186 = vector.extract_strided_slice %convert_element_type3A_9 {offsets = [12, 0, 0], sizes = [1, 128, 512], strides = [1, 1, 1]} : vector<21x128x512xbf16> to vector<1x128x512xbf16>
    %squeeze3A_187 = vector.shape_cast %slice3A_186 : vector<1x128x512xbf16> to vector<128x512xbf16>
    %sub3A_188 = arith.subf %squeeze3A_187, %max3A_68 : vector<128x512xbf16>
    %convert_element_type3A_189 = arith.extf %sub3A_188 : vector<128x512xbf16> to vector<128x512xf32>
    %exp3A_190 = math.exp %convert_element_type3A_189 : vector<128x512xf32>
    %add3A_191 = arith.addf %add3A_181, %exp3A_190 : vector<128x512xf32>
    %eq3A_192 = arith.constant 12 : i16
    %eq3A_193 = vector.broadcast %eq3A_192 : i16 to vector<128x512xi16>
    %eq3A_194 = arith.cmpi eq, %convert_element_type3A_74, %eq3A_193 : vector<128x512xi16>
    %select_n3A_195 = arith.select %eq3A_194, %sub3A_188, %select_n3A_185 : vector<128x512xi1>, vector<128x512xbf16>
    %slice3A_196 = vector.extract_strided_slice %convert_element_type3A_9 {offsets = [13, 0, 0], sizes = [1, 128, 512], strides = [1, 1, 1]} : vector<21x128x512xbf16> to vector<1x128x512xbf16>
    %squeeze3A_197 = vector.shape_cast %slice3A_196 : vector<1x128x512xbf16> to vector<128x512xbf16>
    %sub3A_198 = arith.subf %squeeze3A_197, %max3A_68 : vector<128x512xbf16>
    %convert_element_type3A_199 = arith.extf %sub3A_198 : vector<128x512xbf16> to vector<128x512xf32>
    %exp3A_200 = math.exp %convert_element_type3A_199 : vector<128x512xf32>
    %add3A_201 = arith.addf %add3A_191, %exp3A_200 : vector<128x512xf32>
    %eq3A_202 = arith.constant 13 : i16
    %eq3A_203 = vector.broadcast %eq3A_202 : i16 to vector<128x512xi16>
    %eq3A_204 = arith.cmpi eq, %convert_element_type3A_74, %eq3A_203 : vector<128x512xi16>
    %select_n3A_205 = arith.select %eq3A_204, %sub3A_198, %select_n3A_195 : vector<128x512xi1>, vector<128x512xbf16>
    %slice3A_206 = vector.extract_strided_slice %convert_element_type3A_9 {offsets = [14, 0, 0], sizes = [1, 128, 512], strides = [1, 1, 1]} : vector<21x128x512xbf16> to vector<1x128x512xbf16>
    %squeeze3A_207 = vector.shape_cast %slice3A_206 : vector<1x128x512xbf16> to vector<128x512xbf16>
    %sub3A_208 = arith.subf %squeeze3A_207, %max3A_68 : vector<128x512xbf16>
    %convert_element_type3A_209 = arith.extf %sub3A_208 : vector<128x512xbf16> to vector<128x512xf32>
    %exp3A_210 = math.exp %convert_element_type3A_209 : vector<128x512xf32>
    %add3A_211 = arith.addf %add3A_201, %exp3A_210 : vector<128x512xf32>
    %eq3A_212 = arith.constant 14 : i16
    %eq3A_213 = vector.broadcast %eq3A_212 : i16 to vector<128x512xi16>
    %eq3A_214 = arith.cmpi eq, %convert_element_type3A_74, %eq3A_213 : vector<128x512xi16>
    %select_n3A_215 = arith.select %eq3A_214, %sub3A_208, %select_n3A_205 : vector<128x512xi1>, vector<128x512xbf16>
    %slice3A_216 = vector.extract_strided_slice %convert_element_type3A_9 {offsets = [15, 0, 0], sizes = [1, 128, 512], strides = [1, 1, 1]} : vector<21x128x512xbf16> to vector<1x128x512xbf16>
    %squeeze3A_217 = vector.shape_cast %slice3A_216 : vector<1x128x512xbf16> to vector<128x512xbf16>
    %sub3A_218 = arith.subf %squeeze3A_217, %max3A_68 : vector<128x512xbf16>
    %convert_element_type3A_219 = arith.extf %sub3A_218 : vector<128x512xbf16> to vector<128x512xf32>
    %exp3A_220 = math.exp %convert_element_type3A_219 : vector<128x512xf32>
    %add3A_221 = arith.addf %add3A_211, %exp3A_220 : vector<128x512xf32>
    %eq3A_222 = arith.constant 15 : i16
    %eq3A_223 = vector.broadcast %eq3A_222 : i16 to vector<128x512xi16>
    %eq3A_224 = arith.cmpi eq, %convert_element_type3A_74, %eq3A_223 : vector<128x512xi16>
    %select_n3A_225 = arith.select %eq3A_224, %sub3A_218, %select_n3A_215 : vector<128x512xi1>, vector<128x512xbf16>
    %slice3A_226 = vector.extract_strided_slice %convert_element_type3A_9 {offsets = [16, 0, 0], sizes = [1, 128, 512], strides = [1, 1, 1]} : vector<21x128x512xbf16> to vector<1x128x512xbf16>
    %squeeze3A_227 = vector.shape_cast %slice3A_226 : vector<1x128x512xbf16> to vector<128x512xbf16>
    %sub3A_228 = arith.subf %squeeze3A_227, %max3A_68 : vector<128x512xbf16>
    %convert_element_type3A_229 = arith.extf %sub3A_228 : vector<128x512xbf16> to vector<128x512xf32>
    %exp3A_230 = math.exp %convert_element_type3A_229 : vector<128x512xf32>
    %add3A_231 = arith.addf %add3A_221, %exp3A_230 : vector<128x512xf32>
    %eq3A_232 = arith.constant 16 : i16
    %eq3A_233 = vector.broadcast %eq3A_232 : i16 to vector<128x512xi16>
    %eq3A_234 = arith.cmpi eq, %convert_element_type3A_74, %eq3A_233 : vector<128x512xi16>
    %select_n3A_235 = arith.select %eq3A_234, %sub3A_228, %select_n3A_225 : vector<128x512xi1>, vector<128x512xbf16>
    %slice3A_236 = vector.extract_strided_slice %convert_element_type3A_9 {offsets = [17, 0, 0], sizes = [1, 128, 512], strides = [1, 1, 1]} : vector<21x128x512xbf16> to vector<1x128x512xbf16>
    %squeeze3A_237 = vector.shape_cast %slice3A_236 : vector<1x128x512xbf16> to vector<128x512xbf16>
    %sub3A_238 = arith.subf %squeeze3A_237, %max3A_68 : vector<128x512xbf16>
    %convert_element_type3A_239 = arith.extf %sub3A_238 : vector<128x512xbf16> to vector<128x512xf32>
    %exp3A_240 = math.exp %convert_element_type3A_239 : vector<128x512xf32>
    %add3A_241 = arith.addf %add3A_231, %exp3A_240 : vector<128x512xf32>
    %eq3A_242 = arith.constant 17 : i16
    %eq3A_243 = vector.broadcast %eq3A_242 : i16 to vector<128x512xi16>
    %eq3A_244 = arith.cmpi eq, %convert_element_type3A_74, %eq3A_243 : vector<128x512xi16>
    %select_n3A_245 = arith.select %eq3A_244, %sub3A_238, %select_n3A_235 : vector<128x512xi1>, vector<128x512xbf16>
    %slice3A_246 = vector.extract_strided_slice %convert_element_type3A_9 {offsets = [18, 0, 0], sizes = [1, 128, 512], strides = [1, 1, 1]} : vector<21x128x512xbf16> to vector<1x128x512xbf16>
    %squeeze3A_247 = vector.shape_cast %slice3A_246 : vector<1x128x512xbf16> to vector<128x512xbf16>
    %sub3A_248 = arith.subf %squeeze3A_247, %max3A_68 : vector<128x512xbf16>
    %convert_element_type3A_249 = arith.extf %sub3A_248 : vector<128x512xbf16> to vector<128x512xf32>
    %exp3A_250 = math.exp %convert_element_type3A_249 : vector<128x512xf32>
    %add3A_251 = arith.addf %add3A_241, %exp3A_250 : vector<128x512xf32>
    %eq3A_252 = arith.constant 18 : i16
    %eq3A_253 = vector.broadcast %eq3A_252 : i16 to vector<128x512xi16>
    %eq3A_254 = arith.cmpi eq, %convert_element_type3A_74, %eq3A_253 : vector<128x512xi16>
    %select_n3A_255 = arith.select %eq3A_254, %sub3A_248, %select_n3A_245 : vector<128x512xi1>, vector<128x512xbf16>
    %slice3A_256 = vector.extract_strided_slice %convert_element_type3A_9 {offsets = [19, 0, 0], sizes = [1, 128, 512], strides = [1, 1, 1]} : vector<21x128x512xbf16> to vector<1x128x512xbf16>
    %squeeze3A_257 = vector.shape_cast %slice3A_256 : vector<1x128x512xbf16> to vector<128x512xbf16>
    %sub3A_258 = arith.subf %squeeze3A_257, %max3A_68 : vector<128x512xbf16>
    %convert_element_type3A_259 = arith.extf %sub3A_258 : vector<128x512xbf16> to vector<128x512xf32>
    %exp3A_260 = math.exp %convert_element_type3A_259 : vector<128x512xf32>
    %add3A_261 = arith.addf %add3A_251, %exp3A_260 : vector<128x512xf32>
    %eq3A_262 = arith.constant 19 : i16
    %eq3A_263 = vector.broadcast %eq3A_262 : i16 to vector<128x512xi16>
    %eq3A_264 = arith.cmpi eq, %convert_element_type3A_74, %eq3A_263 : vector<128x512xi16>
    %select_n3A_265 = arith.select %eq3A_264, %sub3A_258, %select_n3A_255 : vector<128x512xi1>, vector<128x512xbf16>
    %slice3A_266 = vector.extract_strided_slice %convert_element_type3A_9 {offsets = [20, 0, 0], sizes = [1, 128, 512], strides = [1, 1, 1]} : vector<21x128x512xbf16> to vector<1x128x512xbf16>
    %squeeze3A_267 = vector.shape_cast %slice3A_266 : vector<1x128x512xbf16> to vector<128x512xbf16>
    %sub3A_268 = arith.subf %squeeze3A_267, %max3A_68 : vector<128x512xbf16>
    %convert_element_type3A_269 = arith.extf %sub3A_268 : vector<128x512xbf16> to vector<128x512xf32>
    %exp3A_270 = math.exp %convert_element_type3A_269 : vector<128x512xf32>
    %add3A_271 = arith.addf %add3A_261, %exp3A_270 : vector<128x512xf32>
    %eq3A_272 = arith.constant 20 : i16
    %eq3A_273 = vector.broadcast %eq3A_272 : i16 to vector<128x512xi16>
    %eq3A_274 = arith.cmpi eq, %convert_element_type3A_74, %eq3A_273 : vector<128x512xi16>
    %select_n3A_275 = arith.select %eq3A_274, %sub3A_268, %select_n3A_265 : vector<128x512xi1>, vector<128x512xbf16>
    %log3A = math.log %add3A_271 : vector<128x512xf32>
    %convert_element_type3A_276 = arith.extf %select_n3A_275 : vector<128x512xbf16> to vector<128x512xf32>
    %sub3A_277 = arith.subf %log3A, %convert_element_type3A_276 : vector<128x512xf32>
    %swap3A = arith.constant 0 : index
    %swap3A_278 = arith.constant 0 : index
    %swap3A_279 = arith.constant 0 : index
    %swap3A_280 = vector.load %arg8[%swap3A, %swap3A_278, %swap3A_279] : memref<1x128x512xf32, #tpu.memory_space<vmem>>, vector<1x128x512xf32>
    %swap3A_281 = vector.shape_cast %swap3A_280 : vector<1x128x512xf32> to vector<128x512xf32>
    %swap3A_282 = vector.shape_cast %sub3A_277 : vector<128x512xf32> to vector<1x128x512xf32>
    tpu.vector_store %arg8[%swap3A, %swap3A_278, %swap3A_279], %swap3A_282 {strides = array<i32>} : memref<1x128x512xf32, #tpu.memory_space<vmem>>, vector<1x128x512xf32>,
    %get3A_283 = arith.constant 0 : index
    %get3A_284 = arith.constant 0 : index
    %get3A_285 = arith.constant 0 : index
    %get3A_286 = arith.constant 0 : index
    %get3A_287 = vector.load %arg2[%get3A_283, %get3A_284, %get3A_285, %get3A_286] : memref<1x1x128x512xf32, #tpu.memory_space<vmem>>, vector<1x1x128x512xf32>
    %get3A_288 = vector.shape_cast %get3A_287 : vector<1x1x128x512xf32> to vector<128x512xf32>
    %get3A_289 = arith.constant 0 : index
    %get3A_290 = arith.constant 0 : index
    %get3A_291 = arith.constant 0 : index
    %get3A_292 = arith.constant 0 : index
    %get3A_293 = vector.load %arg3[%get3A_289, %get3A_290, %get3A_291, %get3A_292] : memref<1x1x128x512xf32, #tpu.memory_space<vmem>>, vector<1x1x128x512xf32>
    %get3A_294 = vector.shape_cast %get3A_293 : vector<1x1x128x512xf32> to vector<128x512xf32>
    %sub3A_295 = arith.subf %get3A_288, %get3A_294 : vector<128x512xf32>
    %gt3A = arith.constant 0 : i32
    %gt3A_296 = vector.broadcast %gt3A : i32 to vector<128x512xi32>
    %gt3A_297 = arith.cmpi sgt, %get3A_73, %gt3A_296 : vector<128x512xi32>
    %convert_element_type3A_298 = arith.extui %gt3A_297 : vector<128x512xi1> to vector<128x512xi32>
    %convert_element_type3A_299 = arith.sitofp %convert_element_type3A_298 : vector<128x512xi32> to vector<128x512xf32>
    %get3A_300 = arith.constant 0 : index
    %get3A_301 = arith.constant 0 : index
    %get3A_302 = arith.constant 0 : index
    %get3A_303 = arith.constant 0 : index
    %get3A_304 = vector.load %arg5[%get3A_300, %get3A_301, %get3A_302, %get3A_303] : memref<1x2x128x512xf32, #tpu.memory_space<vmem>>, vector<1x1x128x512xf32>
    %get3A_305 = vector.shape_cast %get3A_304 : vector<1x1x128x512xf32> to vector<128x512xf32>
    %get3A_306 = arith.constant 0 : index
    %get3A_307 = arith.constant 0 : index
    %get3A_308 = arith.constant 0 : index
    %get3A_309 = arith.constant 0 : index
    %get3A_310 = vector.load %arg6[%get3A_306, %get3A_307, %get3A_308, %get3A_309] : memref<1x2x128x512xf32, #tpu.memory_space<vmem>>, vector<1x1x128x512xf32>
    %get3A_311 = vector.shape_cast %get3A_310 : vector<1x1x128x512xf32> to vector<128x512xf32>
    %sub3A_312 = arith.subf %get3A_305, %get3A_311 : vector<128x512xf32>
    %abs3A = math.absf %sub3A_312 : vector<128x512xf32>
    %get3A_313 = arith.constant 0 : index
    %get3A_314 = arith.constant 1 : index
    %get3A_315 = arith.constant 0 : index
    %get3A_316 = arith.constant 0 : index
    %get3A_317 = vector.load %arg5[%get3A_313, %get3A_314, %get3A_315, %get3A_316] : memref<1x2x128x512xf32, #tpu.memory_space<vmem>>, vector<1x1x128x512xf32>
    %get3A_318 = vector.shape_cast %get3A_317 : vector<1x1x128x512xf32> to vector<128x512xf32>
    %get3A_319 = arith.constant 0 : index
    %get3A_320 = arith.constant 1 : index
    %get3A_321 = arith.constant 0 : index
    %get3A_322 = arith.constant 0 : index
    %get3A_323 = vector.load %arg6[%get3A_319, %get3A_320, %get3A_321, %get3A_322] : memref<1x2x128x512xf32, #tpu.memory_space<vmem>>, vector<1x1x128x512xf32>
    %get3A_324 = vector.shape_cast %get3A_323 : vector<1x1x128x512xf32> to vector<128x512xf32>
    %sub3A_325 = arith.subf %get3A_318, %get3A_324 : vector<128x512xf32>
    %abs3A_326 = math.absf %sub3A_325 : vector<128x512xf32>
    %add3A_327 = arith.addf %abs3A, %abs3A_326 : vector<128x512xf32>
    %mul3A = arith.mulf %add3A_327, %convert_element_type3A_299 : vector<128x512xf32>
    %get3A_328 = arith.constant 0 : index
    %get3A_329 = arith.constant 0 : index
    %get3A_330 = arith.constant 0 : index
    %get3A_331 = vector.load %arg10[%get3A_328, %get3A_329, %get3A_330] : memref<3x128x512xf32, #tpu.memory_space<vmem>>, vector<1x128x512xf32>
    %get3A_332 = vector.shape_cast %get3A_331 : vector<1x128x512xf32> to vector<128x512xf32>
    %mul3A_333 = arith.mulf %sub3A_295, %sub3A_295 : vector<128x512xf32>
    %add3A_334 = arith.addf %get3A_332, %mul3A_333 : vector<128x512xf32>
    %swap3A_335 = arith.constant 0 : index
    %swap3A_336 = arith.constant 0 : index
    %swap3A_337 = arith.constant 0 : index
    %swap3A_338 = vector.load %arg10[%swap3A_335, %swap3A_336, %swap3A_337] : memref<3x128x512xf32, #tpu.memory_space<vmem>>, vector<1x128x512xf32>
    %swap3A_339 = vector.shape_cast %swap3A_338 : vector<1x128x512xf32> to vector<128x512xf32>
    %swap3A_340 = vector.shape_cast %add3A_334 : vector<128x512xf32> to vector<1x128x512xf32>
    tpu.vector_store %arg10[%swap3A_335, %swap3A_336, %swap3A_337], %swap3A_340 {strides = array<i32>} : memref<3x128x512xf32, #tpu.memory_space<vmem>>, vector<1x128x512xf32>,
    %get3A_341 = arith.constant 1 : index
    %get3A_342 = arith.constant 0 : index
    %get3A_343 = arith.constant 0 : index
    %get3A_344 = vector.load %arg10[%get3A_341, %get3A_342, %get3A_343] : memref<3x128x512xf32, #tpu.memory_space<vmem>>, vector<1x128x512xf32>
    %get3A_345 = vector.shape_cast %get3A_344 : vector<1x128x512xf32> to vector<128x512xf32>
    %add3A_346 = arith.addf %get3A_345, %mul3A : vector<128x512xf32>
    %swap3A_347 = arith.constant 1 : index
    %swap3A_348 = arith.constant 0 : index
    %swap3A_349 = arith.constant 0 : index
    %swap3A_350 = vector.load %arg10[%swap3A_347, %swap3A_348, %swap3A_349] : memref<3x128x512xf32, #tpu.memory_space<vmem>>, vector<1x128x512xf32>
    %swap3A_351 = vector.shape_cast %swap3A_350 : vector<1x128x512xf32> to vector<128x512xf32>
    %swap3A_352 = vector.shape_cast %add3A_346 : vector<128x512xf32> to vector<1x128x512xf32>
    tpu.vector_store %arg10[%swap3A_347, %swap3A_348, %swap3A_349], %swap3A_352 {strides = array<i32>} : memref<3x128x512xf32, #tpu.memory_space<vmem>>, vector<1x128x512xf32>,
    %get3A_353 = arith.constant 2 : index
    %get3A_354 = arith.constant 0 : index
    %get3A_355 = arith.constant 0 : index
    %get3A_356 = vector.load %arg10[%get3A_353, %get3A_354, %get3A_355] : memref<3x128x512xf32, #tpu.memory_space<vmem>>, vector<1x128x512xf32>
    %get3A_357 = vector.shape_cast %get3A_356 : vector<1x128x512xf32> to vector<128x512xf32>
    %add3A_358 = arith.addf %get3A_357, %convert_element_type3A_299 : vector<128x512xf32>
    %swap3A_359 = arith.constant 2 : index
    %swap3A_360 = arith.constant 0 : index
    %swap3A_361 = arith.constant 0 : index
    %swap3A_362 = vector.load %arg10[%swap3A_359, %swap3A_360, %swap3A_361] : memref<3x128x512xf32, #tpu.memory_space<vmem>>, vector<1x128x512xf32>
    %swap3A_363 = vector.shape_cast %swap3A_362 : vector<1x128x512xf32> to vector<128x512xf32>
    %swap3A_364 = vector.shape_cast %add3A_358 : vector<128x512xf32> to vector<1x128x512xf32>
    tpu.vector_store %arg10[%swap3A_359, %swap3A_360, %swap3A_361], %swap3A_364 {strides = array<i32>} : memref<3x128x512xf32, #tpu.memory_space<vmem>>, vector<1x128x512xf32>,
    %eq3A_365 = arith.constant 7 : i32
    %eq3A_366 = arith.cmpi eq, %arg0, %eq3A_365 : i32
    %eq3A_367 = arith.constant 3 : i32
    %eq3A_368 = arith.cmpi eq, %arg1, %eq3A_367 : i32
    %and3A_369 = arith.andi %eq3A_366, %eq3A_368 : i1
    %convert_element_type3A_370 = arith.extui %and3A_369 : i1 to i32
    %cond3A_371 = arith.constant 0 : i32
    %cond3A_372 = arith.cmpi ne, %convert_element_type3A_370, %cond3A_371 : i32
    scf.if %cond3A_372 {
      %get3A_373 = arith.constant 0 : index
      %get3A_374 = arith.constant 0 : index
      %get3A_375 = arith.constant 0 : index
      %get3A_376 = vector.load %arg10[%get3A_373, %get3A_374, %get3A_375] : memref<3x128x512xf32, #tpu.memory_space<vmem>>, vector<3x128x512xf32>
      %swap3A_377 = arith.constant 0 : index
      %swap3A_378 = arith.constant 0 : index
      %swap3A_379 = arith.constant 0 : index
      %swap3A_380 = vector.load %arg9[%swap3A_377, %swap3A_378, %swap3A_379] : memref<3x128x512xf32, #tpu.memory_space<vmem>>, vector<3x128x512xf32>
      tpu.vector_store %arg9[%swap3A_377, %swap3A_378, %swap3A_379], %get3A_376 {strides = array<i32>} : memref<3x128x512xf32, #tpu.memory_space<vmem>>, vector<3x128x512xf32>,
    } else {
    }
    return
  }
  func.func @transform_0(%arg0: i32, %arg1: i32) -> (i32, i32, i32, i32) {
    %c0_i32 = arith.constant 0 : i32
    %c0_i32_0 = arith.constant 0 : i32
    %c0_i32_1 = arith.constant 0 : i32
    return %arg0, %c0_i32, %arg1, %c0_i32_0 : i32, i32, i32, i32
  }
  func.func @transform_1(%arg0: i32, %arg1: i32) -> (i32, i32, i32, i32) {
    %c0_i32 = arith.constant 0 : i32
    %c0_i32_0 = arith.constant 0 : i32
    %c0_i32_1 = arith.constant 0 : i32
    return %arg0, %c0_i32, %arg1, %c0_i32_0 : i32, i32, i32, i32
  }
  func.func @transform_2(%arg0: i32, %arg1: i32) -> (i32, i32, i32, i32) {
    %c0_i32 = arith.constant 0 : i32
    %c0_i32_0 = arith.constant 0 : i32
    %c0_i32_1 = arith.constant 0 : i32
    return %arg0, %c0_i32, %arg1, %c0_i32_0 : i32, i32, i32, i32
  }
  func.func @transform_3(%arg0: i32, %arg1: i32) -> (i32, i32, i32, i32) {
    %c0_i32 = arith.constant 0 : i32
    %c0_i32_0 = arith.constant 0 : i32
    %c0_i32_1 = arith.constant 0 : i32
    return %arg0, %c0_i32, %arg1, %c0_i32_0 : i32, i32, i32, i32
  }
  func.func @transform_4(%arg0: i32, %arg1: i32) -> (i32, i32, i32, i32) {
    %c0_i32 = arith.constant 0 : i32
    %c0_i32_0 = arith.constant 0 : i32
    %c0_i32_1 = arith.constant 0 : i32
    return %arg0, %c0_i32, %arg1, %c0_i32_0 : i32, i32, i32, i32
  }
  func.func @transform_5(%arg0: i32, %arg1: i32) -> (i32, i32, i32) {
    %c0_i32 = arith.constant 0 : i32
    %c0_i32_0 = arith.constant 0 : i32
    return %arg0, %arg1, %c0_i32 : i32, i32, i32
  }
  func.func @transform_6(%arg0: i32, %arg1: i32) -> (i32, i32, i32) {
    %c0_i32 = arith.constant 0 : i32
    %c0_i32_0 = arith.constant 0 : i32
    return %arg0, %arg1, %c0_i32 : i32, i32, i32
  }
  func.func @transform_7(%arg0: i32, %arg1: i32) -> (i32, i32, i32) {
    %c0_i32 = arith.constant 0 : i32
    %c0_i32_0 = arith.constant 0 : i32
    %c0_i32_1 = arith.constant 0 : i32
    %c0_i32_2 = arith.constant 0 : i32
    return %c0_i32, %c0_i32_0, %c0_i32_1 : i32, i32, i32
  }
}

</mosaic_0001>

<sc_bundles>
// kernel: kernel.5.cloned.1.call-start
scs
__scs_entry_jumppad:
0x0: {  	(pc) =	sbr.rel $0x88, $3  }
0x1: {  	(tag) =	ssettag $0x0;
	lr =	simm.s32 $0x1  }
0x2: {  	[smem:$0x3F9B] =	sst lr;
	_ =	strace $0xD0000000  }
0x3: {  	_ = 	snop  }
0x4: {  	_ = 	snop  }
0x5: {  	_ = 	snop  }
0x6: {  	_ = 	snop  }
0x7: {  	_ = 	snop  }
__scs_overlays_trampoline_lowered:
0x8: {  	[smem:$0x3FAA] =	sst s0  }
0x9: {  	[smem:$0x3FAB] =	sst s1  }
0xa: {  	[smem:$0x3FAC] =	sst s2  }
0xb: {  	[smem:$0x3FAD] =	sst s3  }
0xc: {  	[smem:$0x3FAE] =	sst s4  }
0xd: {  	[smem:$0x3FAF] =	sst s5  }
0xe: {  	[smem:$0x3FB0] =	sst s6  }
0xf: {  	[smem:$0x3FB1] =	sst s7  }
0x10: {  	[smem:$0x3FB2] =	sst s8  }
0x11: {  	[smem:$0x3FB3] =	sst s9;
	s0 =	simm.s32 @!p0 $0x0  }
0x12: {  	s1 =	sld [smem:$0x3F99];
	s0 =	simm.s32 @p0 $0x1  }
0x13: {  	[smem:$0x3FB4] =	sst s0;
	s0 =	simm.s32 @!p1 $0x0  }
0x14: {  	s2 =	sld [smem:$0x3F98];
	s0 =	simm.s32 @p1 $0x1  }
0x15: {  	[smem:$0x3FB5] =	sst s0;
	s0 =	simm.s32 @!p2 $0x0  }
0x16: {  	s3 =	sld [smem:$0x3FDB];
	s0 =	simm.s32 @p2 $0x1  }
0x17: {  	s4 =	simm.s32 $0x1BF5;
	[smem:$0x3FB7] =	sst s0  }
0x18: {  	s0 =	sld [smem:$0x3F9A];
	_ =	swait.ge [sflag:s4], $0x0  }
0x19: {  	s7 =	sld [smem:$0x3F9B]  }
0x1a: {  	s8 =	sadd.s32 $0xFFFFE003, lr  }
0x1b: {  	s9 =	sadd.s32 $0xFFFFFEF7, lr;
	s5 =	simm.s32 $0xFFFFFFFF;
	p2 =	slt.u32 s8, $0xFFFFF086  }
0x1c: {  	p1 =	slt.u32 s9, $0xF7A;
	s5 =	simm.s32 @!p2 $0x0  }
0x1d: {  	s5 =	simm.s32 @p1 $0x1;
	p0 =	seq.s32 s7, s2  }
0x1e: {  	s7 =	smul.u32 @!p0 $0xF7A, s2;
	p2 =	seq.s32 @!p0 s5, $0x0  }
0x1f: {  	s9 =	smul.u32 $0xF7A, s1;
	s8 =	simm.s32 @!p0 $0x1BF5;
	p2 =	por !p2, p0  }
0x20: {  	[sflag:s8] =	ssyncset.s32 @!p0 $0xFFFFF086;
	s6 =	sadd.s32 @!p0 s3, s7;
	s7 =	simm.s32 @!p0 $0x108  }
0x21: {  	s3 =	sadd.s32 s3, s9;
	s6 =	sadd.s32 @!p0 $0x88, s6;
	s7 =	simm.s32 @p2 $0x1082  }
0x22: {  	[simem:s7], [sflag:s8] =	dma.local @!p0 [hbm:s6], $0xF7A  }
0x23: {  	s9 =	sor.u32 $0xD0000000, s2;
	s6 =	simm.s32 $0x108;
	_ =	swait.ge @!p0 [sflag:s8], $0x0  }
0x24: {  	s3 =	sadd.s32 $0x88, s3;
	s6 =	simm.s32 @!p1 $0x1082;
	[sflag:s4] =	ssyncset.s32 $0xFFFFF086  }
0x25: {  	[simem:s6], [sflag:s4] =	dma.local [hbm:s3], $0xF7A  }
0x26: {  	[smem:$0x3F9B] =	sst s1;
	(tag) =	ssettag s2;
	_ =	strace s9  }
0x27: {  	s1 =	sld [smem:$0x3FAB]  }
0x28: {  	s2 =	sld [smem:$0x3FAC]  }
0x29: {  	s4 =	sld [smem:$0x3FAE]  }
0x2a: {  	p0 =	seq.s32 s5, $0x0;
	s5 =	sld [smem:$0x3FAF]  }
0x2b: {  	s6 =	sld [smem:$0x3FB0]  }
0x2c: {  	s7 =	sld [smem:$0x3FB1]  }
0x2d: {  	s3 =	simm.s32 $0x108;
	s8 =	sld [smem:$0x3FB2]  }
0x2e: {  	s3 =	simm.s32 @!p0 $0x1082;
	s9 =	sld [smem:$0x3FB3]  }
0x2f: {  	lr =	sadd.s32 s0, s3;
	s0 =	sld [smem:$0x3FAA]  }
0x30: {  	s3 =	sld [smem:$0x3FAD]  }
0x31: {  	[smem:$0x3FB6] =	sst s10  }
0x32: {  	s10 =	sld [smem:$0x3FB4];
	_ =	sdelay $0x3  }
0x33: {  	p0 =	seq.s32 s10, $0x1;
	s10 =	sld [smem:$0x3FB6];
	_ =	sdelay $0x3  }
0x34: {  	[smem:$0x3FB6] =	sst s10  }
0x35: {  	s10 =	sld [smem:$0x3FB5];
	_ =	sdelay $0x3  }
0x36: {  	p1 =	seq.s32 s10, $0x1;
	s10 =	sld [smem:$0x3FB6];
	_ =	sdelay $0x3  }
0x37: {  	[smem:$0x3FB6] =	sst s10  }
0x38: {  	s10 =	sld [smem:$0x3FB7]  }
0x39: {  	_ = 	snop;
	(pc) =	sbr.ind lr, $3  }
0x3a: {  	_ = 	snop  }
0x3b: {  	_ = 	snop  }
0x3c: {  	p2 =	seq.s32 s10, $0x1;
	s10 =	sld [smem:$0x3FB6]  }
0x3d: {  	_ =	shalt  }
0x3e: {  	_ =	shalt  }
0x3f: {  	_ =	shalt  }
0x40: {  	_ =	shalt  }
0x41: {  	_ =	shalt  }
0x42: {  	_ =	shalt  }
0x43: {  	_ =	shalt  }
0x44: {  	_ =	shalt  }
0x45: {  	_ =	shalt  }
0x46: {  	_ =	shalt  }
0x47: {  	_ =	shalt  }
0x48: {  	_ =	shalt  }
0x49: {  	_ =	shalt  }
0x4a: {  	_ =	shalt  }
0x4b: {  	_ =	shalt  }
0x4c: {  	_ =	shalt  }
0x4d: {  	_ =	shalt  }
0x4e: {  	_ =	shalt  }
0x4f: {  	_ =	shalt  }
0x50: {  	_ =	shalt  }
0x51: {  	_ =	shalt  }
0x52: {  	_ =	shalt  }
0x53: {  	_ =	shalt  }
0x54: {  	_ =	shalt  }
0x55: {  	_ =	shalt  }
0x56: {  	_ =	shalt  }
0x57: {  	_ =	shalt  }
0x58: {  	_ =	shalt  }
0x59: {  	_ =	shalt  }
0x5a: {  	_ =	shalt  }
0x5b: {  	_ =	shalt  }
0x5c: {  	_ =	shalt  }
0x5d: {  	_ =	shalt  }
0x5e: {  	_ =	shalt  }
0x5f: {  	_ =	shalt  }
0x60: {  	_ =	shalt  }
0x61: {  	_ =	shalt  }
0x62: {  	_ =	shalt  }
0x63: {  	_ =	shalt  }
0x64: {  	_ =	shalt  }
0x65: {  	_ =	shalt  }
0x66: {  	_ =	shalt  }
0x67: {  	_ =	shalt  }
0x68: {  	_ =	shalt  }
0x69: {  	_ =	shalt  }
0x6a: {  	_ =	shalt  }
0x6b: {  	_ =	shalt  }
0x6c: {  	_ =	shalt  }
0x6d: {  	_ =	shalt  }
0x6e: {  	_ =	shalt  }
0x6f: {  	_ =	shalt  }
0x70: {  	_ =	shalt  }
0x71: {  	_ =	shalt  }
0x72: {  	_ =	shalt  }
0x73: {  	_ =	shalt  }
0x74: {  	_ =	shalt  }
0x75: {  	_ =	shalt  }
0x76: {  	_ =	shalt  }
0x77: {  	_ =	shalt  }
0x78: {  	_ =	shalt  }
0x79: {  	_ =	shalt  }
0x7a: {  	_ =	shalt  }
0x7b: {  	_ =	shalt  }
0x7c: {  	_ =	shalt  }
0x7d: {  	_ =	shalt  }
0x7e: {  	_ =	shalt  }
0x7f: {  	_ =	shalt  }
0x80: {  	_ =	shalt  }
0x81: {  	_ =	shalt  }
0x82: {  	_ =	shalt  }
0x83: {  	_ =	shalt  }
0x84: {  	_ =	shalt  }
0x85: {  	_ =	shalt  }
0x86: {  	_ =	shalt  }
0x87: {  	_ =	shalt  }
.Lfunc_end0:
.L_simem_size_0:
called_computation_lowered:
.L_overlay_start_0:
0x88: {  	s2 =	sld [smem:$0x3FD9]  }
0x89: {  	s3 =	sld [smem:$0x3FFE];
	_ =	sdelay $0x1  }
0x8a: {  	s1 =	srdreg.scid  }
0x8b: {  	s0 =	sand.u32 $0x1, s1  }
0x8c: {  	s16 =	sshll.u32 s0, $0xA;
	s2 =	sadd.s32 s3, s2  }
0x8d: {  	s2 =	sadd.s32 s2, s16  }
0x8e: {  	[smem:$0x3FC2] =	sst s2  }
0x8f: {  	_ = 	snop  }
0x90: {  	(tm) =	ssettm $0x1  }
0x91: {  	s17 =	sld [smem:$0x3FFB];
	_ =	sdelay $0x3  }
0x92: {  	_ =	strace s17  }
0x93: {  	s2 =	sld [smem:$0x3FFC];
	_ =	sdelay $0x3  }
0x94: {  	_ =	strace s2  }
0x95: {  	s2 =	sld [smem:$0x3FFD];
	_ =	sdelay $0x3  }
0x96: {  	_ =	strace s2  }
0x97: {  	_ =	strace $0x8FFFFFFF  }
0x98: {  	s18 =	sld [smem:$0x3FDB];
	_ =	sdelay $0x1  }
0x99: {  	s19 =	simm.s32 $_scs_section_size  }
0x9a: {  	s4 =	simm.s32 $_size__tile_overlayer_lowered;
	s5 =	simm.s32 $_tile_overlayer_lowered  }
0x9b: {  	s22 =	simm.s32 $0x1BFF;
	s21 =	sshll.u32 s5, $0x1;
	s2 =	sadd.s32 s19, s18  }
0x9c: {  	s6 =	simm.s32 $0x0;
	s20 =	sshll.u32 s4, $0x1;
	s4 =	sadd.s32 s21, s2  }
0x9d: {  	[timem:s6], [sflag:s22] =	dma.local [hbm:s4], s20  }
0x9e: {  	_ =	swait.ge [sflag:s22], s20  }
0x9f: {  	s3 =	ssub.s32 $0x0, s20;
	[sflag:s22] =	ssyncset.done $0x0  }
0xa0: {  	[sflag:s22] =	ssyncadd.s32 s3;
	_ =	sdelay $0x1  }
0xa1: {  	s23 =	simm.s32 $0x1B8B  }
0xa2: {  	_ =	swait.ge [sflag:s23], $0x1  }
0xa3: {  	[sflag:s23] =	ssyncset.done $0x0  }
0xa4: {  	s25 =	simm.s32 $0x1B8E;
	s24 =	sld [smem:$0x3FFE];
	[sflag:s23] =	ssyncadd.s32 $0xFFFFFFFF  }
0xa5: {  	s26 =	simm.s32 $execute0_lowered;
	[smem:$0x3FD2] =	sst s25  }
0xa6: {  	s4 =	sshll.u32 s26, $0x1;
	_ =	strace $0x80000046;
	[dreg:$0x1] =	wrdreg $0xFFFFFFFF  }
0xa7: {  	s28 =	simm.s32 $_size_execute0_lowered;
	s2 =	sadd.s32 s2, s4;
	[dreg:$0x0] =	wrdreg $0x0  }
0xa8: {  	s4 =	sshll.u32 s28, $0x1;
	[dreg:$0x2] =	wrdreg s2  }
0xa9: {  	[dreg:$0x3] =	wrdreg s4  }
0xaa: {  	[dreg:$0x4] =	wrdreg $0xC0  }
0xab: {  	_ =	task [dreg:s6], $0x5FFFF  }
0xac: {  	[dreg:$0x1] =	wrdreg $0xFFFFFFFF  }
0xad: {  	[dreg:$0x0] =	wrdreg $0x60  }
0xae: {  	[dreg:$0x2] =	wrdreg s24  }
0xaf: {  	[dreg:$0x3] =	wrdreg $0x9  }
0xb0: {  	_ =	task.clear_ibuf [dreg:s6], $0x4FFFF;
	_ =	strace $0x90000046  }
0xb1: {  	s29 =	simm.s32 $0x9;
	_ =	strace $0x80000048  }
0xb2: {  	_ =	swait.ge [sflag:s29], $0x1  }
0xb3: {  	[sflag:s29] =	ssyncadd.s32 $0xFFFFFFFF  }
0xb4: {  	_ =	strace $0x90000048  }
0xb5: {  	_ =	sfence  }
0xb6: {  	s30 =	sld [smem:$0x0];
	_ =	sdelay $0x2  }
0xb7: {  	s31 =	sshll.u32 s1, $0xD;
	s1 =	sshrl.u32 s1, $0x2  }
0xb8: {  	s3 =	sand.u32 $0x4000, s31;
	s1 =	sadd.s32 s1, s30  }
0xb9: {  	s0 =	sor.u32 s3, s0;
	s1 =	sshll.u32 s1, $0x11  }
0xba: {  	s0 =	sor.u32 s1, s0  }
0xbb: {  	s0 =	sadd.s32 $0x8F2B, s0  }
0xbc: {  	[sflag:s0] =	ssyncadd.remote.s32 $0x1  }
0xbd: {  	_ =	sfence.sel $0xFFFF  }
0xbe: {  	[dreg:$0x0] =	wrdreg $0xFFFFFFFF;
	(pc) =	sbr.abs _section_cstart, $3  }
0xbf: {  	[dreg:$0x1] =	wrdreg $0xFFFFFFFF  }
0xc0: {  	_ =	task.clear_ibuf [dreg:s6], $0x2FFFF;
	_ =	strace $0x9FFFFFFF  }
0xc1: {  	(tm) =	ssettm $0x7FFFFFFF  }
tec
execute0_lowered:
.L_overlay_start_1:
0x0: {  	(tag) =	ssettag $0x1  }
0x1: {  	s1 =	srdreg.scid;
	s0 =	stileid.u32  }
0x2: {  	s3 =	rddreg [dreg:$0x0];
	s2 =	simm.s32 $0x0;
	s8 =	simm.s32 $0x2000  }
0x3: {  	s9 =	simm.s32 $0x4000;
	s10 =	simm.s32 $0x6000;
	s11 =	simm.s32 $0x8000  }
0x4: {  	s12 =	simm.s32 $0xA000;
	s13 =	simm.s32 $0xC000;
	s14 =	simm.s32 $0xE000  }
0x5: {  	s15 =	simm.s32 $0x10000;
	s4 =	sand.u32 $0x1, s1;
	s5 =	sshll.u32 s0, $0x1  }
0x6: {  	s16 =	simm.s32 $0x80;
	s17 =	simm.s32 $0x400;
	s5 =	sor.u32 s4, s5  }
0x7: {  	[smem:$0x7FF] =	sst s2;
	s6 =	sshll.u32 s0, $0x7;
	s7 =	sshll.u32 s5, $0x4  }
0x8: {  	s1 =	rddreg [dreg:$0x1];
	_ =	strace $0x80000047;
	s6 =	sor.u32 s6, s7  }
0x9: {  	s4 =	ssub.s32 $0x2, s4;
	s5 =	sshll.u32 s5, $0xD;
	s6 =	sand.u32 $0x670, s6  }
0xa: {  	s31 =	sshrl.u32 s4, $0x1;
	s5 =	sadd.s32 s5, s3;
	s6 =	sadd.s32 s6, s3  }
0xb: {  	v1 =	vlaneseq.u32;
	s7 =	ssub.s32 s4, s31;
	s3 =	sadd.s32 $0x1200, s5;
	s4 =	sadd.s32 $0x41200, s6  }
0xc: {  	v0 =	vimm.f32 $0.0e+00;
	v2 =	vimm.f32 $1.000000000e+00;
	v1 =	vmul.u32 $0x200, v1;
	s5 =	sadd.s32 $0x41A00, s6;
	s6 =	smax.u32 s7, $0x1;
	s7 =	simm.s32 $0x1  }
.LBB2_1:
0xd: {  	s18 =	simm.s32 $0x0;
	s19 =	simm.s32 $0x200  }
.LBB2_2:
0xe: {  	p0 =	sne.s32 s19, $0x7E00;
	[tilespmem:s18+$0x10070] =	vst v0  }
0xf: {  	[tilespmem:s18+$0x2000] =	vst v0  }
0x10: {  	[tilespmem:s18+$0x4000] =	vst v0  }
0x11: {  	[tilespmem:s18+$0x6000] =	vst v0  }
0x12: {  	[tilespmem:s18+$0x8000] =	vst v0  }
0x13: {  	[tilespmem:s18+$0xA000] =	vst v0  }
0x14: {  	[tilespmem:s18+$0xC000] =	vst v0  }
0x15: {  	[tilespmem:s18+$0xE000] =	vst v0  }
0x16: {  	[tilespmem:s18+$0x10000] =	vst v0  }
0x17: {  	[tilespmem:s18+$0x2010] =	vst v0  }
0x18: {  	[tilespmem:s18+$0x4010] =	vst v0  }
0x19: {  	[tilespmem:s18+$0x6010] =	vst v0  }
0x1a: {  	[tilespmem:s18+$0x8010] =	vst v0  }
0x1b: {  	[tilespmem:s18+$0xA010] =	vst v0  }
0x1c: {  	[tilespmem:s18+$0xC010] =	vst v0  }
0x1d: {  	[tilespmem:s18+$0xE010] =	vst v0  }
0x1e: {  	[tilespmem:s18+$0x10010] =	vst v0  }
0x1f: {  	[tilespmem:s18+$0x2020] =	vst v0  }
0x20: {  	[tilespmem:s18+$0x4020] =	vst v0  }
0x21: {  	[tilespmem:s18+$0x6020] =	vst v0  }
0x22: {  	[tilespmem:s18+$0x8020] =	vst v0  }
0x23: {  	[tilespmem:s18+$0xA020] =	vst v0  }
0x24: {  	[tilespmem:s18+$0xC020] =	vst v0  }
0x25: {  	[tilespmem:s18+$0xE020] =	vst v0  }
0x26: {  	[tilespmem:s18+$0x10020] =	vst v0  }
0x27: {  	[tilespmem:s18+$0x2030] =	vst v0  }
0x28: {  	[tilespmem:s18+$0x4030] =	vst v0  }
0x29: {  	[tilespmem:s18+$0x6030] =	vst v0  }
0x2a: {  	[tilespmem:s18+$0x8030] =	vst v0  }
0x2b: {  	[tilespmem:s18+$0xA030] =	vst v0  }
0x2c: {  	[tilespmem:s18+$0xC030] =	vst v0  }
0x2d: {  	[tilespmem:s18+$0xE030] =	vst v0  }
0x2e: {  	[tilespmem:s18+$0x10030] =	vst v0  }
0x2f: {  	[tilespmem:s18+$0x2040] =	vst v0  }
0x30: {  	[tilespmem:s18+$0x4040] =	vst v0  }
0x31: {  	[tilespmem:s18+$0x6040] =	vst v0  }
0x32: {  	[tilespmem:s18+$0x8040] =	vst v0  }
0x33: {  	[tilespmem:s18+$0xA040] =	vst v0  }
0x34: {  	[tilespmem:s18+$0xC040] =	vst v0  }
0x35: {  	[tilespmem:s18+$0xE040] =	vst v0  }
0x36: {  	[tilespmem:s18+$0x10040] =	vst v0  }
0x37: {  	[tilespmem:s18+$0x2050] =	vst v0  }
0x38: {  	[tilespmem:s18+$0x4050] =	vst v0  }
0x39: {  	[tilespmem:s18+$0x6050] =	vst v0  }
0x3a: {  	[tilespmem:s18+$0x8050] =	vst v0  }
0x3b: {  	[tilespmem:s18+$0xA050] =	vst v0  }
0x3c: {  	[tilespmem:s18+$0xC050] =	vst v0  }
0x3d: {  	[tilespmem:s18+$0xE050] =	vst v0  }
0x3e: {  	[tilespmem:s18+$0x10050] =	vst v0  }
0x3f: {  	[tilespmem:s18+$0x2060] =	vst v0  }
0x40: {  	[tilespmem:s18+$0x4060] =	vst v0  }
0x41: {  	[tilespmem:s18+$0x6060] =	vst v0  }
0x42: {  	[tilespmem:s18+$0x8060] =	vst v0  }
0x43: {  	[tilespmem:s18+$0xA060] =	vst v0  }
0x44: {  	[tilespmem:s18+$0xC060] =	vst v0  }
0x45: {  	[tilespmem:s18+$0xE060] =	vst v0  }
0x46: {  	[tilespmem:s18+$0x10060] =	vst v0  }
0x47: {  	[tilespmem:s18+$0x2070] =	vst v0  }
0x48: {  	[tilespmem:s18+$0x4070] =	vst v0  }
.Ltmp0:
0x49: {  	[tilespmem:s18+$0x6070] =	vst v0;
	(pc) =	sbr.rel @p0 .LBB2_2-.Ltmp0, $4  }
0x4a: {  	[tilespmem:s18+$0x8070] =	vst v0  }
0x4b: {  	[tilespmem:s18+$0xA070] =	vst v0  }
0x4c: {  	[tilespmem:s18+$0xC070] =	vst v0  }
0x4d: {  	[tilespmem:s18+$0xE070] =	vst v0;
	s18 =	sshra.s32 s19, $0x2;
	s19 =	sadd.s32 $0x200, s19  }
0x4e: {  	[tilespmem:s18+$0x10070] =	vst v0  }
0x4f: {  	[tilespmem:s18+$0x2000] =	vst v0  }
0x50: {  	[tilespmem:s18+$0x4000] =	vst v0  }
0x51: {  	[tilespmem:s18+$0x6000] =	vst v0  }
0x52: {  	[tilespmem:s18+$0x8000] =	vst v0  }
0x53: {  	[tilespmem:s18+$0xA000] =	vst v0  }
0x54: {  	[tilespmem:s18+$0xC000] =	vst v0  }
0x55: {  	[tilespmem:s18+$0xE000] =	vst v0  }
0x56: {  	[tilespmem:s18+$0x10000] =	vst v0  }
0x57: {  	[tilespmem:s18+$0x2010] =	vst v0  }
0x58: {  	[tilespmem:s18+$0x4010] =	vst v0  }
0x59: {  	[tilespmem:s18+$0x6010] =	vst v0  }
0x5a: {  	[tilespmem:s18+$0x8010] =	vst v0  }
0x5b: {  	[tilespmem:s18+$0xA010] =	vst v0  }
0x5c: {  	[tilespmem:s18+$0xC010] =	vst v0  }
0x5d: {  	[tilespmem:s18+$0xE010] =	vst v0  }
0x5e: {  	[tilespmem:s18+$0x10010] =	vst v0  }
0x5f: {  	[tilespmem:s18+$0x2020] =	vst v0  }
0x60: {  	[tilespmem:s18+$0x4020] =	vst v0  }
0x61: {  	[tilespmem:s18+$0x6020] =	vst v0  }
0x62: {  	[tilespmem:s18+$0x8020] =	vst v0  }
0x63: {  	[tilespmem:s18+$0xA020] =	vst v0  }
0x64: {  	[tilespmem:s18+$0xC020] =	vst v0  }
0x65: {  	[tilespmem:s18+$0xE020] =	vst v0  }
0x66: {  	[tilespmem:s18+$0x10020] =	vst v0  }
0x67: {  	[tilespmem:s18+$0x2030] =	vst v0  }
0x68: {  	[tilespmem:s18+$0x4030] =	vst v0  }
0x69: {  	[tilespmem:s18+$0x6030] =	vst v0  }
0x6a: {  	[tilespmem:s18+$0x8030] =	vst v0  }
0x6b: {  	[tilespmem:s18+$0xA030] =	vst v0  }
0x6c: {  	[tilespmem:s18+$0xC030] =	vst v0  }
0x6d: {  	[tilespmem:s18+$0xE030] =	vst v0  }
0x6e: {  	[tilespmem:s18+$0x10030] =	vst v0  }
0x6f: {  	[tilespmem:s18+$0x2040] =	vst v0  }
0x70: {  	[tilespmem:s18+$0x4040] =	vst v0  }
0x71: {  	[tilespmem:s18+$0x6040] =	vst v0  }
0x72: {  	[tilespmem:s18+$0x8040] =	vst v0  }
0x73: {  	[tilespmem:s18+$0xA040] =	vst v0  }
0x74: {  	[tilespmem:s18+$0xC040] =	vst v0  }
0x75: {  	[tilespmem:s18+$0xE040] =	vst v0  }
0x76: {  	[tilespmem:s18+$0x10040] =	vst v0  }
0x77: {  	[tilespmem:s18+$0x2050] =	vst v0  }
0x78: {  	[tilespmem:s18+$0x4050] =	vst v0  }
0x79: {  	[tilespmem:s18+$0x6050] =	vst v0  }
0x7a: {  	[tilespmem:s18+$0x8050] =	vst v0  }
0x7b: {  	[tilespmem:s18+$0xA050] =	vst v0  }
0x7c: {  	[tilespmem:s18+$0xC050] =	vst v0  }
0x7d: {  	[tilespmem:s18+$0xE050] =	vst v0  }
0x7e: {  	[tilespmem:s18+$0x10050] =	vst v0  }
0x7f: {  	[tilespmem:s18+$0x2060] =	vst v0  }
0x80: {  	[tilespmem:s18+$0x4060] =	vst v0  }
0x81: {  	[tilespmem:s18+$0x6060] =	vst v0  }
0x82: {  	[tilespmem:s18+$0x8060] =	vst v0  }
0x83: {  	[tilespmem:s18+$0xA060] =	vst v0  }
0x84: {  	[tilespmem:s18+$0xC060] =	vst v0  }
0x85: {  	[tilespmem:s18+$0xE060] =	vst v0  }
0x86: {  	[tilespmem:s18+$0x10060] =	vst v0  }
0x87: {  	[tilespmem:s18+$0x2070] =	vst v0  }
0x88: {  	[tilespmem:s18+$0x4070] =	vst v0  }
0x89: {  	[tilespmem:s18+$0x6070] =	vst v0  }
0x8a: {  	[tilespmem:s18+$0x8070] =	vst v0  }
0x8b: {  	[tilespmem:s18+$0xA070] =	vst v0  }
0x8c: {  	[tilespmem:s18+$0xC070] =	vst v0  }
0x8d: {  	s19 =	simm.s32 $0x0;
	[tilespmem:s18+$0xE070] =	vst v0;
	s18 =	simm.s32 $0x0  }
.LBB2_4:
0x8e: {  	s20 =	sshll.u32 s18, $0xA  }
0x8f: {  	s20 =	sadd.s32 s20, s3  }
0x90: {  	[tilespmem:s19], [sflag:$0x1] =	stream.linear.gather [hbm4b:s20+s19], $0x2000, $0x38;
	[tilespmem:$0x12000] =	vst v63  }
0x91: {  	_ =	swait.ge [sflag:s7], $0x2000  }
0x92: {  	[sflag:s7] =	ssyncset.done $0x0  }
0x93: {  	s31 =	simm.s32 $0x0;
	[sflag:s7] =	ssyncadd.s32 $0xFFFFE000  }
0x94: {  	v4 =	vld [tilespmem:s31+$0x0];
	_ =	sdelay $0x1  }
0x95: {  	v5 =	vld [tilespmem:s31+$0x10];
	_ =	sdelay $0x1  }
0x96: {  	v6 =	vld [tilespmem:s31+$0x20]  }
0x97: {  	v7 =	vmul.f32 $3.200000000e+01, v4  }
0x98: {  	v3 =	vld [tilespmem:s31+$0x30]  }
0x99: {  	v8 =	vmul.f32 $3.200000000e+01, v5;
	v7 =	vmax.f32 v7, $0.0e+00  }
0x9a: {  	v7 =	vmin.f32 v7, $5.110000000e+02  }
0x9b: {  	v9 =	vmul.f32 $3.200000000e+01, v6;
	v8 =	vmax.f32 v8, $0.0e+00;
	v7 =	vtrunc.f32 v7  }
0x9c: {  	v8 =	vmin.f32 v8, $5.110000000e+02;
	v7 =	vcvt.f32.s32 v7  }
0x9d: {  	v10 =	vmul.f32 $3.200000000e+01, v3;
	v9 =	vmax.f32 v9, $0.0e+00;
	v8 =	vtrunc.f32 v8  }
0x9e: {  	v9 =	vmin.f32 v9, $5.110000000e+02;
	v8 =	vcvt.f32.s32 v8;
	v7 =	vadd.s32 v1, v7  }
0x9f: {  	v10 =	vmax.f32 v10, $0.0e+00;
	v9 =	vtrunc.f32 v9  }
0xa0: {  	v10 =	vmin.f32 v10, $5.110000000e+02;
	v9 =	vcvt.f32.s32 v9;
	v8 =	vadd.s32 v1, v8  }
0xa1: {  	v10 =	vtrunc.f32 v10  }
0xa2: {  	v10 =	vcvt.f32.s32 v10;
	v9 =	vadd.s32 v1, v9  }
0xa3: {  	[tilespmem:v7+s8+$0x0] =	vst.idx.add.f32.msk $0xffff, v2  }
0xa4: {  	[tilespmem:v7+s9+$0x0] =	vst.idx.add.f32.msk $0xffff, v4;
	v4 =	vadd.s32 v1, v10  }
0xa5: {  	[tilespmem:v8+s10+$0x0] =	vst.idx.add.f32.msk $0xffff, v2  }
0xa6: {  	[tilespmem:v8+s11+$0x0] =	vst.idx.add.f32.msk $0xffff, v5  }
0xa7: {  	[tilespmem:v9+s12+$0x0] =	vst.idx.add.f32.msk $0xffff, v2  }
0xa8: {  	[tilespmem:v9+s13+$0x0] =	vst.idx.add.f32.msk $0xffff, v6  }
0xa9: {  	s21 =	simm.s32 $0x200;
	s20 =	simm.s32 $0x100;
	[tilespmem:v4+s14+$0x0] =	vst.idx.add.f32.msk $0xffff, v2  }
.LBB2_5:
0xaa: {  	p0 =	sne.s32 s21, $0x7F00  }
0xab: {  	s22 =	sshra.s32 s20, $0x2;
	[tilespmem:v4+s15+$0x0] =	vst.idx.add.f32.msk $0xffff, v3;
	s20 =	smov.u32 s21;
	s21 =	sadd.s32 $0x100, s21  }
0xac: {  	v4 =	vld [tilespmem:s22+$0x0];
	_ =	sdelay $0x1  }
0xad: {  	v5 =	vld [tilespmem:s22+$0x10];
	_ =	sdelay $0x1  }
0xae: {  	v6 =	vld [tilespmem:s22+$0x20]  }
0xaf: {  	v7 =	vmul.f32 $3.200000000e+01, v4  }
0xb0: {  	v3 =	vld [tilespmem:s22+$0x30]  }
0xb1: {  	v7 =	vmax.f32 v7, $0.0e+00;
	v8 =	vmul.f32 $3.200000000e+01, v5  }
0xb2: {  	v7 =	vmin.f32 v7, $5.110000000e+02  }
0xb3: {  	v7 =	vtrunc.f32 v7;
	v8 =	vmax.f32 v8, $0.0e+00;
	v9 =	vmul.f32 $3.200000000e+01, v6  }
0xb4: {  	v7 =	vcvt.f32.s32 v7;
	v8 =	vmin.f32 v8, $5.110000000e+02  }
0xb5: {  	v8 =	vtrunc.f32 v8;
	v9 =	vmax.f32 v9, $0.0e+00;
	v10 =	vmul.f32 $3.200000000e+01, v3  }
0xb6: {  	v7 =	vadd.s32 v1, v7;
	v8 =	vcvt.f32.s32 v8;
	v9 =	vmin.f32 v9, $5.110000000e+02  }
0xb7: {  	v9 =	vtrunc.f32 v9;
	v10 =	vmax.f32 v10, $0.0e+00  }
0xb8: {  	v8 =	vadd.s32 v1, v8;
	v9 =	vcvt.f32.s32 v9;
	v10 =	vmin.f32 v10, $5.110000000e+02  }
0xb9: {  	v10 =	vtrunc.f32 v10  }
0xba: {  	v9 =	vadd.s32 v1, v9;
	v10 =	vcvt.f32.s32 v10  }
0xbb: {  	[tilespmem:v7+s8+$0x0] =	vst.idx.add.f32.msk $0xffff, v2  }
0xbc: {  	[tilespmem:v7+s9+$0x0] =	vst.idx.add.f32.msk $0xffff, v4;
	v4 =	vadd.s32 v1, v10  }
.Ltmp1:
0xbd: {  	[tilespmem:v8+s10+$0x0] =	vst.idx.add.f32.msk $0xffff, v2;
	(pc) =	sbr.rel @p0 .LBB2_5-.Ltmp1, $4  }
0xbe: {  	[tilespmem:v8+s11+$0x0] =	vst.idx.add.f32.msk $0xffff, v5  }
0xbf: {  	[tilespmem:v9+s12+$0x0] =	vst.idx.add.f32.msk $0xffff, v2  }
0xc0: {  	[tilespmem:v9+s13+$0x0] =	vst.idx.add.f32.msk $0xffff, v6  }
0xc1: {  	[tilespmem:v4+s14+$0x0] =	vst.idx.add.f32.msk $0xffff, v2  }
0xc2: {  	_ =	sdelay $0x3  }
0xc3: {  	s20 =	sshra.s32 s20, $0x2;
	[tilespmem:v4+s15+$0x0] =	vst.idx.add.f32.msk $0xffff, v3  }
0xc4: {  	v3 =	vld [tilespmem:s20+$0x0];
	_ =	sdelay $0x1  }
0xc5: {  	v4 =	vld [tilespmem:s20+$0x10];
	_ =	sdelay $0x1  }
0xc6: {  	v5 =	vld [tilespmem:s20+$0x20]  }
0xc7: {  	v6 =	vmul.f32 $3.200000000e+01, v3  }
0xc8: {  	v7 =	vld [tilespmem:s20+$0x30]  }
0xc9: {  	v8 =	vmul.f32 $3.200000000e+01, v4;
	v6 =	vmax.f32 v6, $0.0e+00  }
0xca: {  	v6 =	vmin.f32 v6, $5.110000000e+02  }
0xcb: {  	v9 =	vmul.f32 $3.200000000e+01, v5;
	v8 =	vmax.f32 v8, $0.0e+00;
	v6 =	vtrunc.f32 v6  }
0xcc: {  	v8 =	vmin.f32 v8, $5.110000000e+02;
	v6 =	vcvt.f32.s32 v6  }
0xcd: {  	v10 =	vmul.f32 $3.200000000e+01, v7;
	v9 =	vmax.f32 v9, $0.0e+00;
	v8 =	vtrunc.f32 v8  }
0xce: {  	v9 =	vmin.f32 v9, $5.110000000e+02;
	v8 =	vcvt.f32.s32 v8;
	v6 =	vadd.s32 v1, v6  }
0xcf: {  	v10 =	vmax.f32 v10, $0.0e+00;
	v9 =	vtrunc.f32 v9  }
0xd0: {  	v10 =	vmin.f32 v10, $5.110000000e+02;
	v9 =	vcvt.f32.s32 v9;
	v8 =	vadd.s32 v1, v8  }
0xd1: {  	v10 =	vtrunc.f32 v10  }
0xd2: {  	v10 =	vcvt.f32.s32 v10;
	v9 =	vadd.s32 v1, v9  }
0xd3: {  	[tilespmem:v6+s8+$0x0] =	vst.idx.add.f32.msk $0xffff, v2  }
0xd4: {  	s18 =	sadd.s32 $0x1, s18;
	[tilespmem:v6+s9+$0x0] =	vst.idx.add.f32.msk $0xffff, v3;
	v3 =	vadd.s32 v1, v10  }
0xd5: {  	p0 =	sne.s32 s18, $0x8;
	[tilespmem:v8+s10+$0x0] =	vst.idx.add.f32.msk $0xffff, v2  }
.Ltmp2:
0xd6: {  	[tilespmem:v8+s11+$0x0] =	vst.idx.add.f32.msk $0xffff, v4;
	(pc) =	sbr.rel @p0 .LBB2_4-.Ltmp2, $4  }
0xd7: {  	[tilespmem:v9+s12+$0x0] =	vst.idx.add.f32.msk $0xffff, v2  }
0xd8: {  	[tilespmem:v9+s13+$0x0] =	vst.idx.add.f32.msk $0xffff, v5  }
0xd9: {  	[tilespmem:v3+s14+$0x0] =	vst.idx.add.f32.msk $0xffff, v2  }
0xda: {  	[tilespmem:v3+s15+$0x0] =	vst.idx.add.f32.msk $0xffff, v7  }
0xdb: {  	s18 =	simm.s32 $0x0  }
0xdc: {  	v4 =	vld [tilespmem:s18+$0x6000]  }
0xdd: {  	v3 =	vld [tilespmem:s18+$0x8000]  }
0xde: {  	s19 =	simm.s32 $0x40;
	v5 =	vld [tilespmem:s18+$0x2000]  }
.LBB2_8:
0xdf: {  	p0 =	sne.s32 s19, $0x7C0;
	v6 =	vld [tilespmem:s18+$0x4000]  }
0xe0: {  	v7 =	vld [tilespmem:s18+$0xA000]  }
0xe1: {  	v8 =	vld [tilespmem:s18+$0xC000]  }
0xe2: {  	v9 =	vld [tilespmem:s18+$0xE000]  }
0xe3: {  	v4 =	vadd.f32 v4, v5;
	v5 =	vld [tilespmem:s18+$0x10000]  }
0xe4: {  	v3 =	vadd.f32 v3, v6;
	v6 =	vld [tilespmem:s18+$0x2200]  }
0xe5: {  	v4 =	vadd.f32 v7, v4;
	v7 =	vld [tilespmem:s18+$0x4200]  }
0xe6: {  	v3 =	vadd.f32 v8, v3;
	v8 =	vld [tilespmem:s18+$0x6200]  }
0xe7: {  	v4 =	vadd.f32 v9, v4;
	v9 =	vld [tilespmem:s18+$0x8200]  }
0xe8: {  	v3 =	vadd.f32 v5, v3;
	v5 =	vld [tilespmem:s18+$0xA200]  }
0xe9: {  	v4 =	vadd.f32 v6, v4;
	v6 =	vld [tilespmem:s18+$0xC200]  }
0xea: {  	v3 =	vadd.f32 v7, v3;
	v7 =	vld [tilespmem:s18+$0xE200]  }
0xeb: {  	v4 =	vadd.f32 v8, v4;
	v8 =	vld [tilespmem:s18+$0x10200]  }
0xec: {  	v3 =	vadd.f32 v9, v3;
	v9 =	vld [tilespmem:s18+$0x2400]  }
0xed: {  	v4 =	vadd.f32 v5, v4;
	v5 =	vld [tilespmem:s18+$0x4400]  }
0xee: {  	v3 =	vadd.f32 v6, v3;
	v6 =	vld [tilespmem:s18+$0x6400]  }
0xef: {  	v4 =	vadd.f32 v7, v4;
	v7 =	vld [tilespmem:s18+$0x8400]  }
0xf0: {  	v3 =	vadd.f32 v8, v3;
	v8 =	vld [tilespmem:s18+$0xA400]  }
0xf1: {  	v4 =	vadd.f32 v9, v4;
	v9 =	vld [tilespmem:s18+$0xC400]  }
0xf2: {  	v3 =	vadd.f32 v5, v3;
	v5 =	vld [tilespmem:s18+$0xE400]  }
0xf3: {  	v4 =	vadd.f32 v6, v4;
	v6 =	vld [tilespmem:s18+$0x10400]  }
0xf4: {  	v3 =	vadd.f32 v7, v3;
	v7 =	vld [tilespmem:s18+$0x2600]  }
0xf5: {  	v4 =	vadd.f32 v8, v4;
	v8 =	vld [tilespmem:s18+$0x4600]  }
0xf6: {  	v3 =	vadd.f32 v9, v3;
	v9 =	vld [tilespmem:s18+$0x6600]  }
0xf7: {  	v4 =	vadd.f32 v5, v4;
	v5 =	vld [tilespmem:s18+$0x8600]  }
0xf8: {  	v3 =	vadd.f32 v6, v3;
	v6 =	vld [tilespmem:s18+$0xA600]  }
0xf9: {  	v4 =	vadd.f32 v7, v4;
	v7 =	vld [tilespmem:s18+$0xC600]  }
0xfa: {  	v3 =	vadd.f32 v8, v3;
	v8 =	vld [tilespmem:s18+$0xE600]  }
0xfb: {  	v4 =	vadd.f32 v9, v4;
	v9 =	vld [tilespmem:s18+$0x10600]  }
0xfc: {  	v3 =	vadd.f32 v5, v3;
	v5 =	vld [tilespmem:s18+$0x2800]  }
0xfd: {  	v4 =	vadd.f32 v6, v4;
	v6 =	vld [tilespmem:s18+$0x4800]  }
0xfe: {  	v3 =	vadd.f32 v7, v3;
	v7 =	vld [tilespmem:s18+$0x6800]  }
0xff: {  	v4 =	vadd.f32 v8, v4;
	v8 =	vld [tilespmem:s18+$0x8800]  }
0x100: {  	v3 =	vadd.f32 v9, v3;
	v9 =	vld [tilespmem:s18+$0xA800]  }
0x101: {  	v4 =	vadd.f32 v5, v4;
	v5 =	vld [tilespmem:s18+$0xC800]  }
0x102: {  	v3 =	vadd.f32 v6, v3;
	v6 =	vld [tilespmem:s18+$0xE800]  }
0x103: {  	v4 =	vadd.f32 v7, v4;
	v7 =	vld [tilespmem:s18+$0x10800]  }
0x104: {  	v3 =	vadd.f32 v8, v3;
	v8 =	vld [tilespmem:s18+$0x2A00]  }
0x105: {  	v4 =	vadd.f32 v9, v4;
	v9 =	vld [tilespmem:s18+$0x4A00]  }
0x106: {  	v3 =	vadd.f32 v5, v3;
	v5 =	vld [tilespmem:s18+$0x6A00]  }
0x107: {  	v4 =	vadd.f32 v6, v4;
	v6 =	vld [tilespmem:s18+$0x8A00]  }
0x108: {  	v3 =	vadd.f32 v7, v3;
	v7 =	vld [tilespmem:s18+$0xAA00]  }
0x109: {  	v4 =	vadd.f32 v8, v4;
	v8 =	vld [tilespmem:s18+$0xCA00]  }
0x10a: {  	v3 =	vadd.f32 v9, v3;
	v9 =	vld [tilespmem:s18+$0xEA00]  }
0x10b: {  	v4 =	vadd.f32 v5, v4;
	v5 =	vld [tilespmem:s18+$0x10A00]  }
0x10c: {  	v3 =	vadd.f32 v6, v3;
	v6 =	vld [tilespmem:s18+$0x2C00]  }
0x10d: {  	v4 =	vadd.f32 v7, v4;
	v7 =	vld [tilespmem:s18+$0x4C00]  }
0x10e: {  	v3 =	vadd.f32 v8, v3;
	v8 =	vld [tilespmem:s18+$0x6C00]  }
0x10f: {  	v4 =	vadd.f32 v9, v4;
	v9 =	vld [tilespmem:s18+$0x8C00]  }
0x110: {  	v3 =	vadd.f32 v5, v3;
	v5 =	vld [tilespmem:s18+$0xAC00]  }
0x111: {  	v4 =	vadd.f32 v6, v4;
	v6 =	vld [tilespmem:s18+$0xCC00]  }
0x112: {  	v3 =	vadd.f32 v7, v3;
	v7 =	vld [tilespmem:s18+$0xEC00]  }
0x113: {  	v4 =	vadd.f32 v8, v4;
	v8 =	vld [tilespmem:s18+$0x10C00]  }
0x114: {  	v3 =	vadd.f32 v9, v3;
	v9 =	vld [tilespmem:s18+$0x2E00]  }
0x115: {  	v4 =	vadd.f32 v5, v4;
	v5 =	vld [tilespmem:s18+$0x4E00]  }
0x116: {  	v3 =	vadd.f32 v6, v3;
	v6 =	vld [tilespmem:s18+$0x6E00]  }
0x117: {  	v4 =	vadd.f32 v7, v4;
	v7 =	vld [tilespmem:s18+$0x8E00]  }
0x118: {  	v3 =	vadd.f32 v8, v3;
	v8 =	vld [tilespmem:s18+$0xAE00]  }
0x119: {  	v4 =	vadd.f32 v9, v4;
	v9 =	vld [tilespmem:s18+$0xCE00]  }
0x11a: {  	v3 =	vadd.f32 v5, v3;
	v5 =	vld [tilespmem:s18+$0xEE00]  }
0x11b: {  	v4 =	vadd.f32 v6, v4;
	v6 =	vld [tilespmem:s18+$0x10E00]  }
0x11c: {  	v3 =	vadd.f32 v7, v3;
	v7 =	vld [tilespmem:s18+$0x3000]  }
0x11d: {  	v4 =	vadd.f32 v8, v4;
	v8 =	vld [tilespmem:s18+$0x5000]  }
0x11e: {  	v3 =	vadd.f32 v9, v3;
	v9 =	vld [tilespmem:s18+$0x7000]  }
0x11f: {  	v4 =	vadd.f32 v5, v4;
	v5 =	vld [tilespmem:s18+$0x9000]  }
0x120: {  	v3 =	vadd.f32 v6, v3;
	v6 =	vld [tilespmem:s18+$0xB000]  }
0x121: {  	v4 =	vadd.f32 v7, v4;
	v7 =	vld [tilespmem:s18+$0xD000]  }
0x122: {  	v3 =	vadd.f32 v8, v3;
	v8 =	vld [tilespmem:s18+$0xF000]  }
0x123: {  	v4 =	vadd.f32 v9, v4;
	v9 =	vld [tilespmem:s18+$0x11000]  }
0x124: {  	v3 =	vadd.f32 v5, v3;
	v5 =	vld [tilespmem:s18+$0x3200]  }
0x125: {  	v4 =	vadd.f32 v6, v4;
	v6 =	vld [tilespmem:s18+$0x5200]  }
0x126: {  	v3 =	vadd.f32 v7, v3;
	v7 =	vld [tilespmem:s18+$0x7200]  }
0x127: {  	v4 =	vadd.f32 v8, v4;
	v8 =	vld [tilespmem:s18+$0x9200]  }
0x128: {  	v3 =	vadd.f32 v9, v3;
	v9 =	vld [tilespmem:s18+$0xB200]  }
0x129: {  	v4 =	vadd.f32 v5, v4;
	v5 =	vld [tilespmem:s18+$0xD200]  }
0x12a: {  	v3 =	vadd.f32 v6, v3;
	v6 =	vld [tilespmem:s18+$0xF200]  }
0x12b: {  	v4 =	vadd.f32 v7, v4;
	v7 =	vld [tilespmem:s18+$0x11200]  }
0x12c: {  	v3 =	vadd.f32 v8, v3;
	v8 =	vld [tilespmem:s18+$0x3400]  }
0x12d: {  	v4 =	vadd.f32 v9, v4;
	v9 =	vld [tilespmem:s18+$0x5400]  }
0x12e: {  	v3 =	vadd.f32 v5, v3;
	v5 =	vld [tilespmem:s18+$0x7400]  }
0x12f: {  	v4 =	vadd.f32 v6, v4;
	v6 =	vld [tilespmem:s18+$0x9400]  }
0x130: {  	v3 =	vadd.f32 v7, v3;
	v7 =	vld [tilespmem:s18+$0xB400]  }
0x131: {  	v4 =	vadd.f32 v8, v4;
	v8 =	vld [tilespmem:s18+$0xD400]  }
0x132: {  	v3 =	vadd.f32 v9, v3;
	v9 =	vld [tilespmem:s18+$0xF400]  }
0x133: {  	v4 =	vadd.f32 v5, v4;
	v5 =	vld [tilespmem:s18+$0x11400]  }
0x134: {  	v3 =	vadd.f32 v6, v3;
	v6 =	vld [tilespmem:s18+$0x3600]  }
0x135: {  	v4 =	vadd.f32 v7, v4;
	v7 =	vld [tilespmem:s18+$0x5600]  }
0x136: {  	v3 =	vadd.f32 v8, v3;
	v8 =	vld [tilespmem:s18+$0x7600]  }
0x137: {  	v4 =	vadd.f32 v9, v4;
	v9 =	vld [tilespmem:s18+$0x9600]  }
0x138: {  	v3 =	vadd.f32 v5, v3;
	v5 =	vld [tilespmem:s18+$0xB600]  }
0x139: {  	v4 =	vadd.f32 v6, v4;
	v6 =	vld [tilespmem:s18+$0xD600]  }
0x13a: {  	v3 =	vadd.f32 v7, v3;
	v7 =	vld [tilespmem:s18+$0xF600]  }
0x13b: {  	v4 =	vadd.f32 v8, v4;
	v8 =	vld [tilespmem:s18+$0x11600]  }
0x13c: {  	v3 =	vadd.f32 v9, v3;
	v9 =	vld [tilespmem:s18+$0x3800]  }
0x13d: {  	v4 =	vadd.f32 v5, v4;
	v5 =	vld [tilespmem:s18+$0x5800]  }
0x13e: {  	v3 =	vadd.f32 v6, v3;
	v6 =	vld [tilespmem:s18+$0x7800]  }
0x13f: {  	v4 =	vadd.f32 v7, v4;
	v7 =	vld [tilespmem:s18+$0x9800]  }
0x140: {  	v3 =	vadd.f32 v8, v3;
	v8 =	vld [tilespmem:s18+$0xB800]  }
0x141: {  	v4 =	vadd.f32 v9, v4;
	v9 =	vld [tilespmem:s18+$0xD800]  }
0x142: {  	v3 =	vadd.f32 v5, v3;
	v5 =	vld [tilespmem:s18+$0xF800]  }
0x143: {  	v4 =	vadd.f32 v6, v4;
	v6 =	vld [tilespmem:s18+$0x11800]  }
0x144: {  	v3 =	vadd.f32 v7, v3;
	v7 =	vld [tilespmem:s18+$0x3A00]  }
0x145: {  	v4 =	vadd.f32 v8, v4;
	v8 =	vld [tilespmem:s18+$0x5A00]  }
0x146: {  	v3 =	vadd.f32 v9, v3;
	v9 =	vld [tilespmem:s18+$0x7A00]  }
0x147: {  	v4 =	vadd.f32 v5, v4;
	v5 =	vld [tilespmem:s18+$0x9A00]  }
0x148: {  	v3 =	vadd.f32 v6, v3;
	v6 =	vld [tilespmem:s18+$0xBA00]  }
0x149: {  	v4 =	vadd.f32 v7, v4;
	v7 =	vld [tilespmem:s18+$0xDA00]  }
0x14a: {  	v3 =	vadd.f32 v8, v3;
	v8 =	vld [tilespmem:s18+$0xFA00]  }
0x14b: {  	v4 =	vadd.f32 v9, v4;
	v9 =	vld [tilespmem:s18+$0x11A00]  }
0x14c: {  	v3 =	vadd.f32 v5, v3;
	v5 =	vld [tilespmem:s18+$0x3C00]  }
0x14d: {  	v4 =	vadd.f32 v6, v4;
	v6 =	vld [tilespmem:s18+$0x5C00]  }
0x14e: {  	v3 =	vadd.f32 v7, v3;
	v7 =	vld [tilespmem:s18+$0x7C00]  }
0x14f: {  	v4 =	vadd.f32 v8, v4;
	v8 =	vld [tilespmem:s18+$0x9C00]  }
0x150: {  	v3 =	vadd.f32 v9, v3;
	v9 =	vld [tilespmem:s18+$0xBC00]  }
0x151: {  	v4 =	vadd.f32 v5, v4;
	v5 =	vld [tilespmem:s18+$0xDC00]  }
0x152: {  	v3 =	vadd.f32 v6, v3;
	v6 =	vld [tilespmem:s18+$0xFC00]  }
0x153: {  	v4 =	vadd.f32 v7, v4;
	v7 =	vld [tilespmem:s18+$0x11C00]  }
0x154: {  	v3 =	vadd.f32 v8, v3;
	v8 =	vld [tilespmem:s18+$0x3E00]  }
0x155: {  	v4 =	vadd.f32 v9, v4;
	v9 =	vld [tilespmem:s18+$0x5E00]  }
0x156: {  	v3 =	vadd.f32 v5, v3;
	v5 =	vld [tilespmem:s18+$0x7E00]  }
0x157: {  	v4 =	vadd.f32 v6, v4;
	v6 =	vld [tilespmem:s18+$0x9E00]  }
0x158: {  	v3 =	vadd.f32 v7, v3;
	v7 =	vld [tilespmem:s18+$0xBE00]  }
0x159: {  	v4 =	vadd.f32 v8, v4;
	v8 =	vld [tilespmem:s18+$0xDE00]  }
0x15a: {  	v3 =	vadd.f32 v9, v3;
	v9 =	vld [tilespmem:s18+$0xFE00]  }
0x15b: {  	v4 =	vadd.f32 v5, v4;
	v5 =	vld [tilespmem:s18+$0x11E00]  }
0x15c: {  	v3 =	vadd.f32 v6, v3  }
0x15d: {  	v4 =	vadd.f32 v7, v4  }
.Ltmp3:
0x15e: {  	v3 =	vadd.f32 v8, v3;
	(pc) =	sbr.rel @p0 .LBB2_8-.Ltmp3, $4  }
0x15f: {  	s20 =	sshra.s32 s19, $0x2;
	v6 =	vadd.f32 v9, v4  }
0x160: {  	v4 =	vld [tilespmem:s20+$0x6000];
	v7 =	vadd.f32 v5, v3  }
0x161: {  	v3 =	vld [tilespmem:s20+$0x8000];
	[tilespmem:s18+$0x2000] =	vst v6  }
0x162: {  	s19 =	sadd.s32 $0x40, s19;
	v5 =	vld [tilespmem:s20+$0x2000];
	[tilespmem:s18+$0x4000] =	vst v7;
	s18 =	smov.u32 s20  }
0x163: {  	v6 =	vld [tilespmem:s18+$0x4000]  }
0x164: {  	v7 =	vld [tilespmem:s18+$0xA000]  }
0x165: {  	v8 =	vld [tilespmem:s18+$0xC000]  }
0x166: {  	v9 =	vld [tilespmem:s18+$0xE000]  }
0x167: {  	v47 =	vld [tilespmem:s18+$0x10000];
	v4 =	vadd.f32 v4, v5  }
0x168: {  	v48 =	vld [tilespmem:s18+$0x2200];
	v3 =	vadd.f32 v3, v6  }
0x169: {  	v49 =	vld [tilespmem:s18+$0x4200];
	v4 =	vadd.f32 v7, v4  }
0x16a: {  	v50 =	vld [tilespmem:s18+$0x6200];
	v3 =	vadd.f32 v8, v3  }
0x16b: {  	v51 =	vld [tilespmem:s18+$0x8200];
	v4 =	vadd.f32 v9, v4  }
0x16c: {  	v52 =	vld [tilespmem:s18+$0xA200];
	v3 =	vadd.f32 v47, v3  }
0x16d: {  	v53 =	vld [tilespmem:s18+$0xC200];
	v4 =	vadd.f32 v48, v4  }
0x16e: {  	v54 =	vld [tilespmem:s18+$0xE200];
	v3 =	vadd.f32 v49, v3  }
0x16f: {  	v55 =	vld [tilespmem:s18+$0x10200];
	v4 =	vadd.f32 v50, v4  }
0x170: {  	v56 =	vld [tilespmem:s18+$0x2400];
	v3 =	vadd.f32 v51, v3  }
0x171: {  	v57 =	vld [tilespmem:s18+$0x4400];
	v4 =	vadd.f32 v52, v4  }
0x172: {  	v58 =	vld [tilespmem:s18+$0x6400];
	v3 =	vadd.f32 v53, v3  }
0x173: {  	v59 =	vld [tilespmem:s18+$0x8400];
	v4 =	vadd.f32 v54, v4  }
0x174: {  	v60 =	vld [tilespmem:s18+$0xA400];
	v3 =	vadd.f32 v55, v3  }
0x175: {  	v61 =	vld [tilespmem:s18+$0xC400];
	v4 =	vadd.f32 v56, v4  }
0x176: {  	v62 =	vld [tilespmem:s18+$0xE400];
	v3 =	vadd.f32 v57, v3  }
0x177: {  	v63 =	vld [tilespmem:s18+$0x10400];
	v4 =	vadd.f32 v58, v4  }
0x178: {  	v12 =	vld [tilespmem:s18+$0x2600];
	v3 =	vadd.f32 v59, v3  }
0x179: {  	v13 =	vld [tilespmem:s18+$0x4600];
	v4 =	vadd.f32 v60, v4  }
0x17a: {  	v14 =	vld [tilespmem:s18+$0x6600];
	v3 =	vadd.f32 v61, v3  }
0x17b: {  	v15 =	vld [tilespmem:s18+$0x8600];
	v4 =	vadd.f32 v62, v4  }
0x17c: {  	v16 =	vld [tilespmem:s18+$0xA600];
	v3 =	vadd.f32 v63, v3  }
0x17d: {  	v17 =	vld [tilespmem:s18+$0xC600];
	v4 =	vadd.f32 v12, v4  }
0x17e: {  	v18 =	vld [tilespmem:s18+$0xE600];
	v3 =	vadd.f32 v13, v3  }
0x17f: {  	v19 =	vld [tilespmem:s18+$0x10600];
	v4 =	vadd.f32 v14, v4  }
0x180: {  	v20 =	vld [tilespmem:s18+$0x2800];
	v3 =	vadd.f32 v15, v3  }
0x181: {  	v21 =	vld [tilespmem:s18+$0x4800];
	v4 =	vadd.f32 v16, v4  }
0x182: {  	v22 =	vld [tilespmem:s18+$0x6800];
	v3 =	vadd.f32 v17, v3  }
0x183: {  	v23 =	vld [tilespmem:s18+$0x8800];
	v4 =	vadd.f32 v18, v4  }
0x184: {  	v24 =	vld [tilespmem:s18+$0xA800];
	v3 =	vadd.f32 v19, v3  }
0x185: {  	v25 =	vld [tilespmem:s18+$0xC800];
	v4 =	vadd.f32 v20, v4  }
0x186: {  	v26 =	vld [tilespmem:s18+$0xE800];
	v3 =	vadd.f32 v21, v3  }
0x187: {  	v27 =	vld [tilespmem:s18+$0x10800];
	v4 =	vadd.f32 v22, v4  }
0x188: {  	v28 =	vld [tilespmem:s18+$0x2A00];
	v3 =	vadd.f32 v23, v3  }
0x189: {  	v29 =	vld [tilespmem:s18+$0x4A00];
	v4 =	vadd.f32 v24, v4  }
0x18a: {  	v30 =	vld [tilespmem:s18+$0x6A00];
	v3 =	vadd.f32 v25, v3  }
0x18b: {  	v31 =	vld [tilespmem:s18+$0x8A00];
	v4 =	vadd.f32 v26, v4  }
0x18c: {  	v32 =	vld [tilespmem:s18+$0xAA00];
	v3 =	vadd.f32 v27, v3  }
0x18d: {  	v33 =	vld [tilespmem:s18+$0xCA00];
	v4 =	vadd.f32 v28, v4  }
0x18e: {  	v34 =	vld [tilespmem:s18+$0xEA00];
	v3 =	vadd.f32 v29, v3  }
0x18f: {  	v35 =	vld [tilespmem:s18+$0x10A00];
	v4 =	vadd.f32 v30, v4  }
0x190: {  	v36 =	vld [tilespmem:s18+$0x2C00];
	v3 =	vadd.f32 v31, v3  }
0x191: {  	v37 =	vld [tilespmem:s18+$0x4C00];
	v4 =	vadd.f32 v32, v4  }
0x192: {  	v38 =	vld [tilespmem:s18+$0x6C00];
	v3 =	vadd.f32 v33, v3  }
0x193: {  	v39 =	vld [tilespmem:s18+$0x8C00];
	v4 =	vadd.f32 v34, v4  }
0x194: {  	v40 =	vld [tilespmem:s18+$0xAC00];
	v3 =	vadd.f32 v35, v3  }
0x195: {  	v41 =	vld [tilespmem:s18+$0xCC00];
	v4 =	vadd.f32 v36, v4  }
0x196: {  	v42 =	vld [tilespmem:s18+$0xEC00];
	v3 =	vadd.f32 v37, v3  }
0x197: {  	v43 =	vld [tilespmem:s18+$0x10C00];
	v4 =	vadd.f32 v38, v4  }
0x198: {  	v44 =	vld [tilespmem:s18+$0x2E00];
	v3 =	vadd.f32 v39, v3  }
0x199: {  	v45 =	vld [tilespmem:s18+$0x4E00];
	v4 =	vadd.f32 v40, v4  }
0x19a: {  	v46 =	vld [tilespmem:s18+$0x6E00];
	v3 =	vadd.f32 v41, v3  }
0x19b: {  	v47 =	vld [tilespmem:s18+$0x8E00];
	v4 =	vadd.f32 v42, v4  }
0x19c: {  	v48 =	vld [tilespmem:s18+$0xAE00];
	v3 =	vadd.f32 v43, v3  }
0x19d: {  	v49 =	vld [tilespmem:s18+$0xCE00];
	v4 =	vadd.f32 v44, v4  }
0x19e: {  	v50 =	vld [tilespmem:s18+$0xEE00];
	v3 =	vadd.f32 v45, v3  }
0x19f: {  	v51 =	vld [tilespmem:s18+$0x10E00];
	v4 =	vadd.f32 v46, v4  }
0x1a0: {  	v52 =	vld [tilespmem:s18+$0x3000];
	v3 =	vadd.f32 v47, v3  }
0x1a1: {  	v53 =	vld [tilespmem:s18+$0x5000];
	v4 =	vadd.f32 v48, v4  }
0x1a2: {  	v54 =	vld [tilespmem:s18+$0x7000];
	v3 =	vadd.f32 v49, v3  }
0x1a3: {  	v55 =	vld [tilespmem:s18+$0x9000];
	v4 =	vadd.f32 v50, v4  }
0x1a4: {  	v56 =	vld [tilespmem:s18+$0xB000];
	v3 =	vadd.f32 v51, v3  }
0x1a5: {  	v57 =	vld [tilespmem:s18+$0xD000];
	v4 =	vadd.f32 v52, v4  }
0x1a6: {  	v58 =	vld [tilespmem:s18+$0xF000];
	v3 =	vadd.f32 v53, v3  }
0x1a7: {  	v59 =	vld [tilespmem:s18+$0x11000];
	v4 =	vadd.f32 v54, v4  }
0x1a8: {  	v60 =	vld [tilespmem:s18+$0x3200];
	v3 =	vadd.f32 v55, v3  }
0x1a9: {  	v61 =	vld [tilespmem:s18+$0x5200];
	v4 =	vadd.f32 v56, v4  }
0x1aa: {  	v62 =	vld [tilespmem:s18+$0x7200];
	v3 =	vadd.f32 v57, v3  }
0x1ab: {  	v63 =	vld [tilespmem:s18+$0x9200];
	v4 =	vadd.f32 v58, v4  }
0x1ac: {  	v12 =	vld [tilespmem:s18+$0xB200];
	v3 =	vadd.f32 v59, v3  }
0x1ad: {  	v13 =	vld [tilespmem:s18+$0xD200];
	v4 =	vadd.f32 v60, v4  }
0x1ae: {  	v14 =	vld [tilespmem:s18+$0xF200];
	v3 =	vadd.f32 v61, v3  }
0x1af: {  	v15 =	vld [tilespmem:s18+$0x11200];
	v4 =	vadd.f32 v62, v4  }
0x1b0: {  	v16 =	vld [tilespmem:s18+$0x3400];
	v3 =	vadd.f32 v63, v3  }
0x1b1: {  	v17 =	vld [tilespmem:s18+$0x5400];
	v4 =	vadd.f32 v12, v4  }
0x1b2: {  	v18 =	vld [tilespmem:s18+$0x7400];
	v3 =	vadd.f32 v13, v3  }
0x1b3: {  	v19 =	vld [tilespmem:s18+$0x9400];
	v4 =	vadd.f32 v14, v4  }
0x1b4: {  	v20 =	vld [tilespmem:s18+$0xB400];
	v3 =	vadd.f32 v15, v3  }
0x1b5: {  	v21 =	vld [tilespmem:s18+$0xD400];
	v4 =	vadd.f32 v16, v4  }
0x1b6: {  	v22 =	vld [tilespmem:s18+$0xF400];
	v3 =	vadd.f32 v17, v3  }
0x1b7: {  	v23 =	vld [tilespmem:s18+$0x11400];
	v4 =	vadd.f32 v18, v4  }
0x1b8: {  	v24 =	vld [tilespmem:s18+$0x3600];
	v3 =	vadd.f32 v19, v3  }
0x1b9: {  	v25 =	vld [tilespmem:s18+$0x5600];
	v4 =	vadd.f32 v20, v4  }
0x1ba: {  	v26 =	vld [tilespmem:s18+$0x7600];
	v3 =	vadd.f32 v21, v3  }
0x1bb: {  	v27 =	vld [tilespmem:s18+$0x9600];
	v4 =	vadd.f32 v22, v4  }
0x1bc: {  	v28 =	vld [tilespmem:s18+$0xB600];
	v3 =	vadd.f32 v23, v3  }
0x1bd: {  	v29 =	vld [tilespmem:s18+$0xD600];
	v4 =	vadd.f32 v24, v4  }
0x1be: {  	v30 =	vld [tilespmem:s18+$0xF600];
	v3 =	vadd.f32 v25, v3  }
0x1bf: {  	v31 =	vld [tilespmem:s18+$0x11600];
	v4 =	vadd.f32 v26, v4  }
0x1c0: {  	v32 =	vld [tilespmem:s18+$0x3800];
	v3 =	vadd.f32 v27, v3  }
0x1c1: {  	v33 =	vld [tilespmem:s18+$0x5800];
	v4 =	vadd.f32 v28, v4  }
0x1c2: {  	v34 =	vld [tilespmem:s18+$0x7800];
	v3 =	vadd.f32 v29, v3  }
0x1c3: {  	v35 =	vld [tilespmem:s18+$0x9800];
	v4 =	vadd.f32 v30, v4  }
0x1c4: {  	v36 =	vld [tilespmem:s18+$0xB800];
	v3 =	vadd.f32 v31, v3  }
0x1c5: {  	v37 =	vld [tilespmem:s18+$0xD800];
	v4 =	vadd.f32 v32, v4  }
0x1c6: {  	v38 =	vld [tilespmem:s18+$0xF800];
	v3 =	vadd.f32 v33, v3  }
0x1c7: {  	v39 =	vld [tilespmem:s18+$0x11800];
	v4 =	vadd.f32 v34, v4  }
0x1c8: {  	v40 =	vld [tilespmem:s18+$0x3A00];
	v3 =	vadd.f32 v35, v3  }
0x1c9: {  	v41 =	vld [tilespmem:s18+$0x5A00];
	v4 =	vadd.f32 v36, v4  }
0x1ca: {  	v42 =	vld [tilespmem:s18+$0x7A00];
	v3 =	vadd.f32 v37, v3  }
0x1cb: {  	v43 =	vld [tilespmem:s18+$0x9A00];
	v4 =	vadd.f32 v38, v4  }
0x1cc: {  	v44 =	vld [tilespmem:s18+$0xBA00];
	v3 =	vadd.f32 v39, v3  }
0x1cd: {  	v45 =	vld [tilespmem:s18+$0xDA00];
	v4 =	vadd.f32 v40, v4  }
0x1ce: {  	v46 =	vld [tilespmem:s18+$0xFA00];
	v3 =	vadd.f32 v41, v3  }
0x1cf: {  	v47 =	vld [tilespmem:s18+$0x11A00];
	v4 =	vadd.f32 v42, v4  }
0x1d0: {  	v48 =	vld [tilespmem:s18+$0x3C00];
	v3 =	vadd.f32 v43, v3  }
0x1d1: {  	v49 =	vld [tilespmem:s18+$0x5C00];
	v4 =	vadd.f32 v44, v4  }
0x1d2: {  	v50 =	vld [tilespmem:s18+$0x7C00];
	v3 =	vadd.f32 v45, v3  }
0x1d3: {  	v51 =	vld [tilespmem:s18+$0x9C00];
	v4 =	vadd.f32 v46, v4  }
0x1d4: {  	v52 =	vld [tilespmem:s18+$0xBC00];
	v3 =	vadd.f32 v47, v3  }
0x1d5: {  	v53 =	vld [tilespmem:s18+$0xDC00];
	v4 =	vadd.f32 v48, v4  }
0x1d6: {  	v54 =	vld [tilespmem:s18+$0xFC00];
	v3 =	vadd.f32 v49, v3  }
0x1d7: {  	v55 =	vld [tilespmem:s18+$0x11C00];
	v4 =	vadd.f32 v50, v4  }
0x1d8: {  	v56 =	vld [tilespmem:s18+$0x3E00];
	v3 =	vadd.f32 v51, v3  }
0x1d9: {  	v57 =	vld [tilespmem:s18+$0x5E00];
	v4 =	vadd.f32 v52, v4  }
0x1da: {  	v58 =	vld [tilespmem:s18+$0x7E00];
	v3 =	vadd.f32 v53, v3  }
0x1db: {  	v59 =	vld [tilespmem:s18+$0x9E00];
	v4 =	vadd.f32 v54, v4  }
0x1dc: {  	v60 =	vld [tilespmem:s18+$0xBE00];
	v3 =	vadd.f32 v55, v3  }
0x1dd: {  	v61 =	vld [tilespmem:s18+$0xDE00];
	v4 =	vadd.f32 v56, v4  }
0x1de: {  	v62 =	vld [tilespmem:s18+$0xFE00];
	v3 =	vadd.f32 v57, v3  }
0x1df: {  	v63 =	vld [tilespmem:s18+$0x11E00];
	v4 =	vadd.f32 v58, v4  }
0x1e0: {  	v3 =	vadd.f32 v59, v3  }
0x1e1: {  	v4 =	vadd.f32 v60, v4  }
0x1e2: {  	v3 =	vadd.f32 v61, v3  }
0x1e3: {  	v4 =	vadd.f32 v62, v4  }
0x1e4: {  	v3 =	vadd.f32 v63, v3  }
0x1e5: {  	[tilespmem:s18+$0x2000] =	vst v4  }
0x1e6: {  	[tilespmem:s18+$0x4000] =	vst v3  }
0x1e7: {  	[hbm4b:s4+s16] =	stream.strided.scatter [tilespmem:s8], [sflag:$0x1], $0x200, s17, s16, $0x38;
	[tilespmem:$0x12000] =	vst v63  }
0x1e8: {  	s2 =	sadd.s32 $0x1, s2;
	_ =	swait.ge [sflag:s7], $0x200  }
0x1e9: {  	p0 =	sne.s32 s2, s6;
	[sflag:s7] =	ssyncset.done $0x0  }
.Ltmp4:
0x1ea: {  	[sflag:s7] =	ssyncadd.s32 $0xFFFFFE00;
	(pc) =	sbr.rel @p0 .LBB2_1-.Ltmp4, $4  }
0x1eb: {  	[hbm4b:s5+s16] =	stream.strided.scatter [tilespmem:s9], [sflag:$0x1], $0x200, s17, s16, $0x38;
	[tilespmem:$0x12000] =	vst v63  }
0x1ec: {  	_ =	swait.ge [sflag:s7], $0x200  }
0x1ed: {  	[sflag:s7] =	ssyncset.done $0x0  }
0x1ee: {  	[sflag:s7] =	ssyncadd.s32 $0xFFFFFE00  }
0x1ef: {  	_ =	sfence.sel $0x180000  }
0x1f0: {  	[bflag:$0x0] =	sbarrier.arrive $0xFFFF  }
0x1f1: {  	p0 =	sne.s32 s0, $0x0;
	_ =	strace $0x90000047  }
0x1f2: {  	s0 =	sadd.s32 @!p0 $0x100000, s1;
	[bflag:$0x2] =	sbarrier.arrive $0xFFFF  }
0x1f3: {  	[sflag:s0] =	ssyncadd.tile.s32 @!p0 $0x1;
	_ =	shalt  }
.Lfunc_end2:
_tile_overlayer_lowered:
.L_overlay_start_2:
0x1f4: {  	(tag) =	ssettag $0x2  }
0x1f5: {  	s0 =	rddreg [dreg:$0x0];
	s2 =	stileid.u32  }
0x1f6: {  	s1 =	rddreg [dreg:$0x1];
	p0 =	sne.s32 s2, $0x0  }
0x1f7: {  	s3 =	rddreg [dreg:$0x2];
	[bflag:$0x3] =	sbarrier.arrive $0xFFFF;
	s2 =	simm.s32 @!p0 $0x1C01  }
0x1f8: {  	[timem:s3], [sflag:s2] =	dma.local @!p0 [hbm:s0], s1  }
0x1f9: {  	s0 =	simm.s32 @!p0 $0x1  }
0x1fa: {  	_ =	swait.ge @!p0 [sflag:s0], s1  }
0x1fb: {  	s1 =	ssub.s32 @!p0 $0x0, s1;
	[sflag:s0] =	ssyncset.done @!p0 $0x0  }
0x1fc: {  	[sflag:s0] =	ssyncadd.s32 @!p0 s1  }
0x1fd: {  	[bflag:$0x3] =	sbarrier.arrive $0xFFFF  }
0x1fe: {  	_ =	shalt  }

</sc_bundles>
